<compile_context>
chip_gen: v7x
topology: tpu7x:2x2x1
jax: 0.10.2.dev20260603
libtpu: 0.0.44.dev20260713+nightly
codegen_flags: <defaults>
</compile_context>

<pallas_src>
import jax
import jax.numpy as jnp
from jax import lax
from jax.experimental import pallas as pl
from jax.experimental.pallas import tpu as pltpu
from jax.experimental.pallas import tpu_sc as plsc

_BS, _T, _PN, _PT = 1024, 200, 32, 1
_D = 8
_N = _BS * _T * _PN * _PT
_NC, _NS, _L = 2, 16, 16
_NW = _NC * _NS
_N_W = _N // _NW
_CHUNK = 5120
_NCHUNK = _N_W // _CHUNK


def _sc_body(spk_hbm, tab_hbm, out_hbm,
             tab_v, idx0, idx1, out0, out1, si0, si1, so0, so1):
    wid = lax.axis_index("s") * _NC + lax.axis_index("c")
    base = wid * _N_W

    pltpu.sync_copy(tab_hbm, tab_v)

    lane = lax.iota(jnp.int32, _L)
    scatter_base = [lane * _D + d for d in range(_D)]
    nstep = _CHUNK // _L
    idxb, outb = (idx0, idx1), (out0, out1)
    sib, sob = (si0, si1), (so0, so1)

    def idx_slice(c):
        return spk_hbm.at[pl.ds(base + c * _CHUNK, _CHUNK)]

    def out_slice(c):
        return out_hbm.at[pl.ds((base + c * _CHUNK) * _D, _CHUNK * _D)]

    def compute(idx_v, out_v):
        def offset(i):
            return (i >> 4) * 2048 + (i & 1) * 1024 + ((i >> 1) & 7) * 128

        @plsc.parallel_loop(0, nstep, 1, unroll=32)
        def _(i):
            spk = idx_v[pl.ds(i * _L, _L)]
            addr = spk * _D
            o = offset(i)
            dst = out_v.at[pl.ds(pl.multiple_of(o, 128), _L * _D)]
            gathered = [plsc.load_gather(tab_v, [addr + d]) for d in range(_D)]
            for d in range(_D):
                plsc.store_scatter(dst, [scatter_base[d]], gathered[d])

    pltpu.async_copy(idx_slice(0), idxb[0].at[pl.ds(0, _CHUNK)], sib[0])

    def pair_body(c2, carry):
        for b in range(2):
            c = c2 * 2 + b
            pltpu.make_async_copy(idx_slice(0), idxb[b].at[pl.ds(0, _CHUNK)],
                                  sib[b]).wait()

            @pl.when(c + 1 < _NCHUNK)
            def _():
                pltpu.async_copy(idx_slice(c + 1),
                                 idxb[1 - b].at[pl.ds(0, _CHUNK)], sib[1 - b])

            @pl.when(c >= 2)
            def _():
                pltpu.make_async_copy(outb[b], out_slice(0), sob[b]).wait()

            compute(idxb[b], outb[b])
            pltpu.async_copy(outb[b], out_slice(c), sob[b])
        return carry

    lax.fori_loop(0, _NCHUNK // 2, pair_body, 0)

    pltpu.make_async_copy(outb[0], out_slice(0), sob[0]).wait()
    pltpu.make_async_copy(outb[1], out_slice(0), sob[1]).wait()


def kernel(spikes, table):
    spk_flat = spikes.reshape(_N)
    tab_flat = table.reshape(21 * _D)

    mesh = plsc.VectorSubcoreMesh(core_axis_name="c", subcore_axis_name="s")
    out_flat = pl.kernel(
        _sc_body,
        out_type=jax.ShapeDtypeStruct((_N * _D,), jnp.float32),
        mesh=mesh,
        scratch_types=[
            pltpu.VMEM((21 * _D,), jnp.float32),
            pltpu.VMEM((_CHUNK + _L,), jnp.int32),
            pltpu.VMEM((_CHUNK + _L,), jnp.int32),
            pltpu.VMEM((_CHUNK * _D,), jnp.float32),
            pltpu.VMEM((_CHUNK * _D,), jnp.float32),
            pltpu.SemaphoreType.DMA,
            pltpu.SemaphoreType.DMA,
            pltpu.SemaphoreType.DMA,
            pltpu.SemaphoreType.DMA,
        ],
        compiler_params=pltpu.CompilerParams(needs_layout_passes=False),
    )(spk_flat, tab_flat)
    out5 = out_flat.reshape(_BS, _T // 8, 2, 8, 128)
    return out5.transpose(0, 1, 3, 2, 4).reshape(_BS, _T, _PN * _PT * _D)

# --- scband reference (transcript-rebuilt; emitter-appended) ---
"""Pipeline reference for scband-ndt2-spikes-patchifier-66211215835709 (READ-ONLY COPY).

The authoritative reference and input builder live on the scoring server;
editing this copy changes nothing except your own understanding.
"""

import jax, jax.numpy as jnp
import numpy as np

BS, T, PN, PT = 1024, 200, 32, 1
DIM = 256
MAX_NEURON_COUNT = 21
PAD = 5
SPIKE_EMBED_DIM = round(DIM / PN)  # 8


def setup_inputs(seed: int = 0) -> dict:
    key = jax.random.key(seed)
    k_spk, k_tab = jax.random.split(key)
    spikes = jax.random.randint(k_spk, (BS, T, PN, PT), 0, MAX_NEURON_COUNT, dtype=jnp.int32)
    # nn.Embedding weight, N(0,1) init with padding row zeroed (padding_idx=PAD)
    table = jax.random.normal(k_tab, (MAX_NEURON_COUNT, SPIKE_EMBED_DIM), dtype=jnp.float32)
    table = table.at[PAD].set(0.0)
    return {"spikes": spikes, "table": table}


def reference(spikes, table):
    # rearrange 'bs T Pn Pt -> bs T (Pn Pt)'
    x = spikes.reshape(BS, T, PN * PT)
    # embedding lookup (padding row already zeroed in table)
    emb = jnp.take(table, x, axis=0)  # (bs, T, Pn*Pt, spike_embed_dim)
    # flatten(-2, -1)
    out = emb.reshape(BS, T, PN * PT * SPIKE_EMBED_DIM)  # (bs, T, 256)
    return out

if __name__ == "__main__":
    import jax
    _d = setup_inputs()
    print(jax.jit(kernel)(*tuple(_d.values())))

</pallas_src>

<mosaic_0001>
#map = affine_map<(d0, d1) -> (0)>
module attributes {stable_mosaic.version = 14 : i64} {
  func.func @_sc_body(%arg0: i32, %arg1: i32, %arg2: memref<6553600xi32, #tpu.memory_space<hbm>>, %arg3: memref<168xf32, #tpu.memory_space<hbm>>, %arg4: memref<52428800xf32, #tpu.memory_space<hbm>>, %arg5: memref<168xf32, #tpu.memory_space<vmem>>, %arg6: memref<5136xi32, #tpu.memory_space<vmem>>, %arg7: memref<5136xi32, #tpu.memory_space<vmem>>, %arg8: memref<40960xf32, #tpu.memory_space<vmem>>, %arg9: memref<40960xf32, #tpu.memory_space<vmem>>, %arg10: memref<!tpu.dma_semaphore, #tpu.memory_space<semaphore_mem>>, %arg11: memref<!tpu.dma_semaphore, #tpu.memory_space<semaphore_mem>>, %arg12: memref<!tpu.dma_semaphore, #tpu.memory_space<semaphore_mem>>, %arg13: memref<!tpu.dma_semaphore, #tpu.memory_space<semaphore_mem>>) attributes {dimension_semantics = [#tpu.dimension_semantics<core_parallel>, #tpu.dimension_semantics<subcore_parallel>], iteration_bounds = array<i64: 2, 16>, scalar_prefetch = 0 : i64, scratch_operands = 9 : i64, tpu.core_type = #tpu.core_type<sc_vector_subcore>, window_params = [{transform_indices = #map}, {transform_indices = #map}, {transform_indices = #map}]} {
    %mul3A = arith.constant 2 : i32
    %mul3A_0 = arith.muli %arg1, %mul3A : i32
    %add3A = arith.addi %mul3A_0, %arg0 : i32
    %mul3A_1 = arith.constant 204800 : i32
    %mul3A_2 = arith.muli %add3A, %mul3A_1 : i32
    "tpu.region"() ({
      %run_scoped3A = tpu.sem_alloc : memref<!tpu.dma_semaphore, #tpu.memory_space<semaphore_mem>>
      tpu.enqueue_dma source(%arg3 : memref<168xf32, #tpu.memory_space<hbm>>) target(%arg5 : memref<168xf32, #tpu.memory_space<vmem>>) target_semaphore(%run_scoped3A : memref<!tpu.dma_semaphore, #tpu.memory_space<semaphore_mem>>)
      tpu.wait_dma2 semaphore(%run_scoped3A : memref<!tpu.dma_semaphore, #tpu.memory_space<semaphore_mem>>) src(%arg3 : memref<168xf32, #tpu.memory_space<hbm>>) dst(%arg5 : memref<168xf32, #tpu.memory_space<vmem>>)
      tpu.yield
    }) : () -> ()
    %iota3A = tpu.iota {dimensions = array<i32: 0>} : vector<16xi32>
    %mul3A_3 = arith.constant 8 : i32
    %mul3A_4 = vector.broadcast %mul3A_3 : i32 to vector<16xi32>
    %mul3A_5 = arith.muli %iota3A, %mul3A_4 : vector<16xi32>
    %add3A_6 = arith.constant 0 : i32
    %add3A_7 = vector.broadcast %add3A_6 : i32 to vector<16xi32>
    %add3A_8 = arith.addi %mul3A_5, %add3A_7 : vector<16xi32>
    %mul3A_9 = arith.constant 8 : i32
    %mul3A_10 = vector.broadcast %mul3A_9 : i32 to vector<16xi32>
    %mul3A_11 = arith.muli %iota3A, %mul3A_10 : vector<16xi32>
    %add3A_12 = arith.constant 1 : i32
    %add3A_13 = vector.broadcast %add3A_12 : i32 to vector<16xi32>
    %add3A_14 = arith.addi %mul3A_11, %add3A_13 : vector<16xi32>
    %mul3A_15 = arith.constant 8 : i32
    %mul3A_16 = vector.broadcast %mul3A_15 : i32 to vector<16xi32>
    %mul3A_17 = arith.muli %iota3A, %mul3A_16 : vector<16xi32>
    %add3A_18 = arith.constant 2 : i32
    %add3A_19 = vector.broadcast %add3A_18 : i32 to vector<16xi32>
    %add3A_20 = arith.addi %mul3A_17, %add3A_19 : vector<16xi32>
    %mul3A_21 = arith.constant 8 : i32
    %mul3A_22 = vector.broadcast %mul3A_21 : i32 to vector<16xi32>
    %mul3A_23 = arith.muli %iota3A, %mul3A_22 : vector<16xi32>
    %add3A_24 = arith.constant 3 : i32
    %add3A_25 = vector.broadcast %add3A_24 : i32 to vector<16xi32>
    %add3A_26 = arith.addi %mul3A_23, %add3A_25 : vector<16xi32>
    %mul3A_27 = arith.constant 8 : i32
    %mul3A_28 = vector.broadcast %mul3A_27 : i32 to vector<16xi32>
    %mul3A_29 = arith.muli %iota3A, %mul3A_28 : vector<16xi32>
    %add3A_30 = arith.constant 4 : i32
    %add3A_31 = vector.broadcast %add3A_30 : i32 to vector<16xi32>
    %add3A_32 = arith.addi %mul3A_29, %add3A_31 : vector<16xi32>
    %mul3A_33 = arith.constant 8 : i32
    %mul3A_34 = vector.broadcast %mul3A_33 : i32 to vector<16xi32>
    %mul3A_35 = arith.muli %iota3A, %mul3A_34 : vector<16xi32>
    %add3A_36 = arith.constant 5 : i32
    %add3A_37 = vector.broadcast %add3A_36 : i32 to vector<16xi32>
    %add3A_38 = arith.addi %mul3A_35, %add3A_37 : vector<16xi32>
    %mul3A_39 = arith.constant 8 : i32
    %mul3A_40 = vector.broadcast %mul3A_39 : i32 to vector<16xi32>
    %mul3A_41 = arith.muli %iota3A, %mul3A_40 : vector<16xi32>
    %add3A_42 = arith.constant 6 : i32
    %add3A_43 = vector.broadcast %add3A_42 : i32 to vector<16xi32>
    %add3A_44 = arith.addi %mul3A_41, %add3A_43 : vector<16xi32>
    %mul3A_45 = arith.constant 8 : i32
    %mul3A_46 = vector.broadcast %mul3A_45 : i32 to vector<16xi32>
    %mul3A_47 = arith.muli %iota3A, %mul3A_46 : vector<16xi32>
    %add3A_48 = arith.constant 7 : i32
    %add3A_49 = vector.broadcast %add3A_48 : i32 to vector<16xi32>
    %add3A_50 = arith.addi %mul3A_47, %add3A_49 : vector<16xi32>
    %add3A_51 = arith.constant 0 : i32
    %add3A_52 = arith.addi %mul3A_2, %add3A_51 : i32
    %dma_start3A = arith.constant 0 : i32
    %dma_start3A_53 = tpu.memref_slice %arg6[%dma_start3A] : memref<5136xi32, #tpu.memory_space<vmem>> -> memref<5120xi32, #tpu.memory_space<vmem>>
    %dma_start3A_54 = tpu.memref_slice %arg2[%add3A_52] : memref<6553600xi32, #tpu.memory_space<hbm>> -> memref<5120xi32, #tpu.memory_space<hbm>>
    %dma_start3A_55 = arith.constant 0 : i32
    %dma_start3A_56 = tpu.memref_slice %arg6[%dma_start3A_55] : memref<5136xi32, #tpu.memory_space<vmem>> -> memref<5120xi32, #tpu.memory_space<vmem>>
    %dma_start3A_57 = tpu.memref_slice %arg2[%add3A_52] : memref<6553600xi32, #tpu.memory_space<hbm>> -> memref<5120xi32, #tpu.memory_space<hbm>>
    tpu.enqueue_dma source(%dma_start3A_57 : memref<5120xi32, #tpu.memory_space<hbm>>) target(%dma_start3A_56 : memref<5120xi32, #tpu.memory_space<vmem>>) target_semaphore(%arg10 : memref<!tpu.dma_semaphore, #tpu.memory_space<semaphore_mem>>)
    %scan3A = arith.constant 0 : i32
    %scan3A_58 = arith.constant 0 : i32
    %scan3A_59 = arith.constant 20 : i32
    %scan3A_60 = arith.addi %scan3A_58, %scan3A_59 : i32
    %scan3A_61 = arith.constant 1 : i32
    scf.for %scan3A_74 = %scan3A_58 to %scan3A_60 step %scan3A_61  : i32 {
      %mul3A_75 = arith.constant 2 : i32
      %mul3A_76 = arith.muli %scan3A_74, %mul3A_75 : i32
      %add3A_77 = arith.constant 0 : i32
      %add3A_78 = arith.addi %mul3A_76, %add3A_77 : i32
      %add3A_79 = arith.constant 0 : i32
      %add3A_80 = arith.addi %mul3A_2, %add3A_79 : i32
      %dma_wait3A_81 = arith.constant 0 : i32
      %dma_wait3A_82 = tpu.memref_slice %arg6[%dma_wait3A_81] : memref<5136xi32, #tpu.memory_space<vmem>> -> memref<5120xi32, #tpu.memory_space<vmem>>
      %dma_wait3A_83 = tpu.memref_slice %arg2[%add3A_80] : memref<6553600xi32, #tpu.memory_space<hbm>> -> memref<5120xi32, #tpu.memory_space<hbm>>
      %dma_wait3A_84 = arith.constant 0 : i32
      %dma_wait3A_85 = tpu.memref_slice %arg6[%dma_wait3A_84] : memref<5136xi32, #tpu.memory_space<vmem>> -> memref<5120xi32, #tpu.memory_space<vmem>>
      %dma_wait3A_86 = tpu.memref_slice %arg2[%add3A_80] : memref<6553600xi32, #tpu.memory_space<hbm>> -> memref<5120xi32, #tpu.memory_space<hbm>>
      tpu.wait_dma2 semaphore(%arg10 : memref<!tpu.dma_semaphore, #tpu.memory_space<semaphore_mem>>) src(%dma_wait3A_86 : memref<5120xi32, #tpu.memory_space<hbm>>) dst(%dma_wait3A_85 : memref<5120xi32, #tpu.memory_space<vmem>>)
      %add3A_87 = arith.constant 1 : i32
      %add3A_88 = arith.addi %add3A_78, %add3A_87 : i32
      %lt3A = arith.constant 40 : i32
      %lt3A_89 = arith.cmpi slt, %add3A_88, %lt3A : i32
      %convert_element_type3A = arith.extui %lt3A_89 : i1 to i32
      %cond3A = arith.constant 0 : i32
      %cond3A_90 = arith.cmpi ne, %convert_element_type3A, %cond3A : i32
      scf.if %cond3A_90 {
        %add3A_138 = arith.constant 1 : i32
        %add3A_139 = arith.addi %add3A_78, %add3A_138 : i32
        %mul3A_140 = arith.constant 5120 : i32
        %mul3A_141 = arith.muli %add3A_139, %mul3A_140 : i32
        %add3A_142 = arith.addi %mul3A_2, %mul3A_141 : i32
        %dma_start3A_143 = arith.constant 0 : i32
        %dma_start3A_144 = tpu.memref_slice %arg7[%dma_start3A_143] : memref<5136xi32, #tpu.memory_space<vmem>> -> memref<5120xi32, #tpu.memory_space<vmem>>
        %dma_start3A_145 = tpu.memref_slice %arg2[%add3A_142] : memref<6553600xi32, #tpu.memory_space<hbm>> -> memref<5120xi32, #tpu.memory_space<hbm>>
        %dma_start3A_146 = arith.constant 0 : i32
        %dma_start3A_147 = tpu.memref_slice %arg7[%dma_start3A_146] : memref<5136xi32, #tpu.memory_space<vmem>> -> memref<5120xi32, #tpu.memory_space<vmem>>
        %dma_start3A_148 = tpu.memref_slice %arg2[%add3A_142] : memref<6553600xi32, #tpu.memory_space<hbm>> -> memref<5120xi32, #tpu.memory_space<hbm>>
        tpu.enqueue_dma source(%dma_start3A_148 : memref<5120xi32, #tpu.memory_space<hbm>>) target(%dma_start3A_147 : memref<5120xi32, #tpu.memory_space<vmem>>) target_semaphore(%arg11 : memref<!tpu.dma_semaphore, #tpu.memory_space<semaphore_mem>>)
      } else {
      }
      %ge3A = arith.constant 2 : i32
      %ge3A_91 = arith.cmpi sge, %add3A_78, %ge3A : i32
      %convert_element_type3A_92 = arith.extui %ge3A_91 : i1 to i32
      %cond3A_93 = arith.constant 0 : i32
      %cond3A_94 = arith.cmpi ne, %convert_element_type3A_92, %cond3A_93 : i32
      scf.if %cond3A_94 {
        %add3A_138 = arith.constant 0 : i32
        %add3A_139 = arith.addi %mul3A_2, %add3A_138 : i32
        %mul3A_140 = arith.constant 8 : i32
        %mul3A_141 = arith.muli %add3A_139, %mul3A_140 : i32
        %dma_wait3A_142 = tpu.memref_slice %arg4[%mul3A_141] : memref<52428800xf32, #tpu.memory_space<hbm>> -> memref<40960xf32, #tpu.memory_space<hbm>>
        %dma_wait3A_143 = tpu.memref_slice %arg4[%mul3A_141] : memref<52428800xf32, #tpu.memory_space<hbm>> -> memref<40960xf32, #tpu.memory_space<hbm>>
        tpu.wait_dma2 semaphore(%arg12 : memref<!tpu.dma_semaphore, #tpu.memory_space<semaphore_mem>>) src(%arg8 : memref<40960xf32, #tpu.memory_space<vmem>>) dst(%dma_wait3A_143 : memref<40960xf32, #tpu.memory_space<hbm>>)
      } else {
      }
      %parallel_loop3A = arith.constant 0 : i32
      %parallel_loop3A_95 = arith.constant 320 : i32
      %parallel_loop3A_96 = arith.constant 1 : i32
      scf.for %parallel_loop3A_138 = %parallel_loop3A to %parallel_loop3A_95 step %parallel_loop3A_96  : i32 {
        %parallel_loop3A_139 = arith.constant 16 : i32
        %parallel_loop3A_140 = arith.muli %parallel_loop3A_138, %parallel_loop3A_139 : i32
        %parallel_loop3A_141 = arith.index_cast %parallel_loop3A_140 : i32 to index
        %parallel_loop3A_142 = tpu.vector_load %arg6[%parallel_loop3A_141] {strides = array<i32>} : memref<5136xi32, #tpu.memory_space<vmem>>, vector<16xi32>,
        %parallel_loop3A_143 = arith.constant 8 : i32
        %parallel_loop3A_144 = vector.broadcast %parallel_loop3A_143 : i32 to vector<16xi32>
        %parallel_loop3A_145 = arith.muli %parallel_loop3A_142, %parallel_loop3A_144 : vector<16xi32>
        %parallel_loop3A_146 = arith.constant 4 : i32
        %parallel_loop3A_147 = arith.shrsi %parallel_loop3A_138, %parallel_loop3A_146 : i32
        %parallel_loop3A_148 = arith.constant 2048 : i32
        %parallel_loop3A_149 = arith.muli %parallel_loop3A_147, %parallel_loop3A_148 : i32
        %parallel_loop3A_150 = arith.constant 1 : i32
        %parallel_loop3A_151 = arith.andi %parallel_loop3A_138, %parallel_loop3A_150 : i32
        %parallel_loop3A_152 = arith.constant 1024 : i32
        %parallel_loop3A_153 = arith.muli %parallel_loop3A_151, %parallel_loop3A_152 : i32
        %parallel_loop3A_154 = arith.addi %parallel_loop3A_149, %parallel_loop3A_153 : i32
        %parallel_loop3A_155 = arith.constant 1 : i32
        %parallel_loop3A_156 = arith.shrsi %parallel_loop3A_138, %parallel_loop3A_155 : i32
        %parallel_loop3A_157 = arith.constant 7 : i32
        %parallel_loop3A_158 = arith.andi %parallel_loop3A_156, %parallel_loop3A_157 : i32
        %parallel_loop3A_159 = arith.constant 128 : i32
        %parallel_loop3A_160 = arith.muli %parallel_loop3A_158, %parallel_loop3A_159 : i32
        %parallel_loop3A_161 = arith.addi %parallel_loop3A_154, %parallel_loop3A_160 : i32
        %parallel_loop3A_162 = tpu.assume_multiple %parallel_loop3A_161, 128 : i32
        %parallel_loop3A_163 = arith.constant 0 : i32
        %parallel_loop3A_164 = vector.broadcast %parallel_loop3A_163 : i32 to vector<16xi32>
        %parallel_loop3A_165 = arith.addi %parallel_loop3A_145, %parallel_loop3A_164 : vector<16xi32>
        %parallel_loop3A_166 = tpu.vector_load_idx %arg5[%parallel_loop3A_165] : memref<168xf32, #tpu.memory_space<vmem>>[vector<16xi32>], vector<16xf32>,
        %parallel_loop3A_167 = arith.constant 1 : i32
        %parallel_loop3A_168 = vector.broadcast %parallel_loop3A_167 : i32 to vector<16xi32>
        %parallel_loop3A_169 = arith.addi %parallel_loop3A_145, %parallel_loop3A_168 : vector<16xi32>
        %parallel_loop3A_170 = tpu.vector_load_idx %arg5[%parallel_loop3A_169] : memref<168xf32, #tpu.memory_space<vmem>>[vector<16xi32>], vector<16xf32>,
        %parallel_loop3A_171 = arith.constant 2 : i32
        %parallel_loop3A_172 = vector.broadcast %parallel_loop3A_171 : i32 to vector<16xi32>
        %parallel_loop3A_173 = arith.addi %parallel_loop3A_145, %parallel_loop3A_172 : vector<16xi32>
        %parallel_loop3A_174 = tpu.vector_load_idx %arg5[%parallel_loop3A_173] : memref<168xf32, #tpu.memory_space<vmem>>[vector<16xi32>], vector<16xf32>,
        %parallel_loop3A_175 = arith.constant 3 : i32
        %parallel_loop3A_176 = vector.broadcast %parallel_loop3A_175 : i32 to vector<16xi32>
        %parallel_loop3A_177 = arith.addi %parallel_loop3A_145, %parallel_loop3A_176 : vector<16xi32>
        %parallel_loop3A_178 = tpu.vector_load_idx %arg5[%parallel_loop3A_177] : memref<168xf32, #tpu.memory_space<vmem>>[vector<16xi32>], vector<16xf32>,
        %parallel_loop3A_179 = arith.constant 4 : i32
        %parallel_loop3A_180 = vector.broadcast %parallel_loop3A_179 : i32 to vector<16xi32>
        %parallel_loop3A_181 = arith.addi %parallel_loop3A_145, %parallel_loop3A_180 : vector<16xi32>
        %parallel_loop3A_182 = tpu.vector_load_idx %arg5[%parallel_loop3A_181] : memref<168xf32, #tpu.memory_space<vmem>>[vector<16xi32>], vector<16xf32>,
        %parallel_loop3A_183 = arith.constant 5 : i32
        %parallel_loop3A_184 = vector.broadcast %parallel_loop3A_183 : i32 to vector<16xi32>
        %parallel_loop3A_185 = arith.addi %parallel_loop3A_145, %parallel_loop3A_184 : vector<16xi32>
        %parallel_loop3A_186 = tpu.vector_load_idx %arg5[%parallel_loop3A_185] : memref<168xf32, #tpu.memory_space<vmem>>[vector<16xi32>], vector<16xf32>,
        %parallel_loop3A_187 = arith.constant 6 : i32
        %parallel_loop3A_188 = vector.broadcast %parallel_loop3A_187 : i32 to vector<16xi32>
        %parallel_loop3A_189 = arith.addi %parallel_loop3A_145, %parallel_loop3A_188 : vector<16xi32>
        %parallel_loop3A_190 = tpu.vector_load_idx %arg5[%parallel_loop3A_189] : memref<168xf32, #tpu.memory_space<vmem>>[vector<16xi32>], vector<16xf32>,
        %parallel_loop3A_191 = arith.constant 7 : i32
        %parallel_loop3A_192 = vector.broadcast %parallel_loop3A_191 : i32 to vector<16xi32>
        %parallel_loop3A_193 = arith.addi %parallel_loop3A_145, %parallel_loop3A_192 : vector<16xi32>
        %parallel_loop3A_194 = tpu.vector_load_idx %arg5[%parallel_loop3A_193] : memref<168xf32, #tpu.memory_space<vmem>>[vector<16xi32>], vector<16xf32>,
        %parallel_loop3A_195 = tpu.memref_slice %arg8[%parallel_loop3A_162] : memref<40960xf32, #tpu.memory_space<vmem>> -> memref<128xf32, #tpu.memory_space<vmem>>
        tpu.vector_store_idx %parallel_loop3A_195[%add3A_8], %parallel_loop3A_166 : memref<128xf32, #tpu.memory_space<vmem>>[vector<16xi32>], vector<16xf32>,
        %parallel_loop3A_196 = tpu.memref_slice %arg8[%parallel_loop3A_162] : memref<40960xf32, #tpu.memory_space<vmem>> -> memref<128xf32, #tpu.memory_space<vmem>>
        tpu.vector_store_idx %parallel_loop3A_196[%add3A_14], %parallel_loop3A_170 : memref<128xf32, #tpu.memory_space<vmem>>[vector<16xi32>], vector<16xf32>,
        %parallel_loop3A_197 = tpu.memref_slice %arg8[%parallel_loop3A_162] : memref<40960xf32, #tpu.memory_space<vmem>> -> memref<128xf32, #tpu.memory_space<vmem>>
        tpu.vector_store_idx %parallel_loop3A_197[%add3A_20], %parallel_loop3A_174 : memref<128xf32, #tpu.memory_space<vmem>>[vector<16xi32>], vector<16xf32>,
        %parallel_loop3A_198 = tpu.memref_slice %arg8[%parallel_loop3A_162] : memref<40960xf32, #tpu.memory_space<vmem>> -> memref<128xf32, #tpu.memory_space<vmem>>
        tpu.vector_store_idx %parallel_loop3A_198[%add3A_26], %parallel_loop3A_178 : memref<128xf32, #tpu.memory_space<vmem>>[vector<16xi32>], vector<16xf32>,
        %parallel_loop3A_199 = tpu.memref_slice %arg8[%parallel_loop3A_162] : memref<40960xf32, #tpu.memory_space<vmem>> -> memref<128xf32, #tpu.memory_space<vmem>>
        tpu.vector_store_idx %parallel_loop3A_199[%add3A_32], %parallel_loop3A_182 : memref<128xf32, #tpu.memory_space<vmem>>[vector<16xi32>], vector<16xf32>,
        %parallel_loop3A_200 = tpu.memref_slice %arg8[%parallel_loop3A_162] : memref<40960xf32, #tpu.memory_space<vmem>> -> memref<128xf32, #tpu.memory_space<vmem>>
        tpu.vector_store_idx %parallel_loop3A_200[%add3A_38], %parallel_loop3A_186 : memref<128xf32, #tpu.memory_space<vmem>>[vector<16xi32>], vector<16xf32>,
        %parallel_loop3A_201 = tpu.memref_slice %arg8[%parallel_loop3A_162] : memref<40960xf32, #tpu.memory_space<vmem>> -> memref<128xf32, #tpu.memory_space<vmem>>
        tpu.vector_store_idx %parallel_loop3A_201[%add3A_44], %parallel_loop3A_190 : memref<128xf32, #tpu.memory_space<vmem>>[vector<16xi32>], vector<16xf32>,
        %parallel_loop3A_202 = tpu.memref_slice %arg8[%parallel_loop3A_162] : memref<40960xf32, #tpu.memory_space<vmem>> -> memref<128xf32, #tpu.memory_space<vmem>>
        tpu.vector_store_idx %parallel_loop3A_202[%add3A_50], %parallel_loop3A_194 : memref<128xf32, #tpu.memory_space<vmem>>[vector<16xi32>], vector<16xf32>,
      } {sc.loop_unroll_factor = 32 : i64, sc.parallel_access}
      %mul3A_97 = arith.constant 5120 : i32
      %mul3A_98 = arith.muli %add3A_78, %mul3A_97 : i32
      %add3A_99 = arith.addi %mul3A_2, %mul3A_98 : i32
      %mul3A_100 = arith.constant 8 : i32
      %mul3A_101 = arith.muli %add3A_99, %mul3A_100 : i32
      %dma_start3A_102 = tpu.memref_slice %arg4[%mul3A_101] : memref<52428800xf32, #tpu.memory_space<hbm>> -> memref<40960xf32, #tpu.memory_space<hbm>>
      %dma_start3A_103 = tpu.memref_slice %arg4[%mul3A_101] : memref<52428800xf32, #tpu.memory_space<hbm>> -> memref<40960xf32, #tpu.memory_space<hbm>>
      tpu.enqueue_dma source(%arg8 : memref<40960xf32, #tpu.memory_space<vmem>>) target(%dma_start3A_103 : memref<40960xf32, #tpu.memory_space<hbm>>) target_semaphore(%arg12 : memref<!tpu.dma_semaphore, #tpu.memory_space<semaphore_mem>>)
      %mul3A_104 = arith.constant 2 : i32
      %mul3A_105 = arith.muli %scan3A_74, %mul3A_104 : i32
      %add3A_106 = arith.constant 1 : i32
      %add3A_107 = arith.addi %mul3A_105, %add3A_106 : i32
      %add3A_108 = arith.constant 0 : i32
      %add3A_109 = arith.addi %mul3A_2, %add3A_108 : i32
      %dma_wait3A_110 = arith.constant 0 : i32
      %dma_wait3A_111 = tpu.memref_slice %arg7[%dma_wait3A_110] : memref<5136xi32, #tpu.memory_space<vmem>> -> memref<5120xi32, #tpu.memory_space<vmem>>
      %dma_wait3A_112 = tpu.memref_slice %arg2[%add3A_109] : memref<6553600xi32, #tpu.memory_space<hbm>> -> memref<5120xi32, #tpu.memory_space<hbm>>
      %dma_wait3A_113 = arith.constant 0 : i32
      %dma_wait3A_114 = tpu.memref_slice %arg7[%dma_wait3A_113] : memref<5136xi32, #tpu.memory_space<vmem>> -> memref<5120xi32, #tpu.memory_space<vmem>>
      %dma_wait3A_115 = tpu.memref_slice %arg2[%add3A_109] : memref<6553600xi32, #tpu.memory_space<hbm>> -> memref<5120xi32, #tpu.memory_space<hbm>>
      tpu.wait_dma2 semaphore(%arg11 : memref<!tpu.dma_semaphore, #tpu.memory_space<semaphore_mem>>) src(%dma_wait3A_115 : memref<5120xi32, #tpu.memory_space<hbm>>) dst(%dma_wait3A_114 : memref<5120xi32, #tpu.memory_space<vmem>>)
      %add3A_116 = arith.constant 1 : i32
      %add3A_117 = arith.addi %add3A_107, %add3A_116 : i32
      %lt3A_118 = arith.constant 40 : i32
      %lt3A_119 = arith.cmpi slt, %add3A_117, %lt3A_118 : i32
      %convert_element_type3A_120 = arith.extui %lt3A_119 : i1 to i32
      %cond3A_121 = arith.constant 0 : i32
      %cond3A_122 = arith.cmpi ne, %convert_element_type3A_120, %cond3A_121 : i32
      scf.if %cond3A_122 {
        %add3A_138 = arith.constant 1 : i32
        %add3A_139 = arith.addi %add3A_107, %add3A_138 : i32
        %mul3A_140 = arith.constant 5120 : i32
        %mul3A_141 = arith.muli %add3A_139, %mul3A_140 : i32
        %add3A_142 = arith.addi %mul3A_2, %mul3A_141 : i32
        %dma_start3A_143 = arith.constant 0 : i32
        %dma_start3A_144 = tpu.memref_slice %arg6[%dma_start3A_143] : memref<5136xi32, #tpu.memory_space<vmem>> -> memref<5120xi32, #tpu.memory_space<vmem>>
        %dma_start3A_145 = tpu.memref_slice %arg2[%add3A_142] : memref<6553600xi32, #tpu.memory_space<hbm>> -> memref<5120xi32, #tpu.memory_space<hbm>>
        %dma_start3A_146 = arith.constant 0 : i32
        %dma_start3A_147 = tpu.memref_slice %arg6[%dma_start3A_146] : memref<5136xi32, #tpu.memory_space<vmem>> -> memref<5120xi32, #tpu.memory_space<vmem>>
        %dma_start3A_148 = tpu.memref_slice %arg2[%add3A_142] : memref<6553600xi32, #tpu.memory_space<hbm>> -> memref<5120xi32, #tpu.memory_space<hbm>>
        tpu.enqueue_dma source(%dma_start3A_148 : memref<5120xi32, #tpu.memory_space<hbm>>) target(%dma_start3A_147 : memref<5120xi32, #tpu.memory_space<vmem>>) target_semaphore(%arg10 : memref<!tpu.dma_semaphore, #tpu.memory_space<semaphore_mem>>)
      } else {
      }
      %ge3A_123 = arith.constant 2 : i32
      %ge3A_124 = arith.cmpi sge, %add3A_107, %ge3A_123 : i32
      %convert_element_type3A_125 = arith.extui %ge3A_124 : i1 to i32
      %cond3A_126 = arith.constant 0 : i32
      %cond3A_127 = arith.cmpi ne, %convert_element_type3A_125, %cond3A_126 : i32
      scf.if %cond3A_127 {
        %add3A_138 = arith.constant 0 : i32
        %add3A_139 = arith.addi %mul3A_2, %add3A_138 : i32
        %mul3A_140 = arith.constant 8 : i32
        %mul3A_141 = arith.muli %add3A_139, %mul3A_140 : i32
        %dma_wait3A_142 = tpu.memref_slice %arg4[%mul3A_141] : memref<52428800xf32, #tpu.memory_space<hbm>> -> memref<40960xf32, #tpu.memory_space<hbm>>
        %dma_wait3A_143 = tpu.memref_slice %arg4[%mul3A_141] : memref<52428800xf32, #tpu.memory_space<hbm>> -> memref<40960xf32, #tpu.memory_space<hbm>>
        tpu.wait_dma2 semaphore(%arg13 : memref<!tpu.dma_semaphore, #tpu.memory_space<semaphore_mem>>) src(%arg9 : memref<40960xf32, #tpu.memory_space<vmem>>) dst(%dma_wait3A_143 : memref<40960xf32, #tpu.memory_space<hbm>>)
      } else {
      }
      %parallel_loop3A_128 = arith.constant 0 : i32
      %parallel_loop3A_129 = arith.constant 320 : i32
      %parallel_loop3A_130 = arith.constant 1 : i32
      scf.for %parallel_loop3A_138 = %parallel_loop3A_128 to %parallel_loop3A_129 step %parallel_loop3A_130  : i32 {
        %parallel_loop3A_139 = arith.constant 16 : i32
        %parallel_loop3A_140 = arith.muli %parallel_loop3A_138, %parallel_loop3A_139 : i32
        %parallel_loop3A_141 = arith.index_cast %parallel_loop3A_140 : i32 to index
        %parallel_loop3A_142 = tpu.vector_load %arg7[%parallel_loop3A_141] {strides = array<i32>} : memref<5136xi32, #tpu.memory_space<vmem>>, vector<16xi32>,
        %parallel_loop3A_143 = arith.constant 8 : i32
        %parallel_loop3A_144 = vector.broadcast %parallel_loop3A_143 : i32 to vector<16xi32>
        %parallel_loop3A_145 = arith.muli %parallel_loop3A_142, %parallel_loop3A_144 : vector<16xi32>
        %parallel_loop3A_146 = arith.constant 4 : i32
        %parallel_loop3A_147 = arith.shrsi %parallel_loop3A_138, %parallel_loop3A_146 : i32
        %parallel_loop3A_148 = arith.constant 2048 : i32
        %parallel_loop3A_149 = arith.muli %parallel_loop3A_147, %parallel_loop3A_148 : i32
        %parallel_loop3A_150 = arith.constant 1 : i32
        %parallel_loop3A_151 = arith.andi %parallel_loop3A_138, %parallel_loop3A_150 : i32
        %parallel_loop3A_152 = arith.constant 1024 : i32
        %parallel_loop3A_153 = arith.muli %parallel_loop3A_151, %parallel_loop3A_152 : i32
        %parallel_loop3A_154 = arith.addi %parallel_loop3A_149, %parallel_loop3A_153 : i32
        %parallel_loop3A_155 = arith.constant 1 : i32
        %parallel_loop3A_156 = arith.shrsi %parallel_loop3A_138, %parallel_loop3A_155 : i32
        %parallel_loop3A_157 = arith.constant 7 : i32
        %parallel_loop3A_158 = arith.andi %parallel_loop3A_156, %parallel_loop3A_157 : i32
        %parallel_loop3A_159 = arith.constant 128 : i32
        %parallel_loop3A_160 = arith.muli %parallel_loop3A_158, %parallel_loop3A_159 : i32
        %parallel_loop3A_161 = arith.addi %parallel_loop3A_154, %parallel_loop3A_160 : i32
        %parallel_loop3A_162 = tpu.assume_multiple %parallel_loop3A_161, 128 : i32
        %parallel_loop3A_163 = arith.constant 0 : i32
        %parallel_loop3A_164 = vector.broadcast %parallel_loop3A_163 : i32 to vector<16xi32>
        %parallel_loop3A_165 = arith.addi %parallel_loop3A_145, %parallel_loop3A_164 : vector<16xi32>
        %parallel_loop3A_166 = tpu.vector_load_idx %arg5[%parallel_loop3A_165] : memref<168xf32, #tpu.memory_space<vmem>>[vector<16xi32>], vector<16xf32>,
        %parallel_loop3A_167 = arith.constant 1 : i32
        %parallel_loop3A_168 = vector.broadcast %parallel_loop3A_167 : i32 to vector<16xi32>
        %parallel_loop3A_169 = arith.addi %parallel_loop3A_145, %parallel_loop3A_168 : vector<16xi32>
        %parallel_loop3A_170 = tpu.vector_load_idx %arg5[%parallel_loop3A_169] : memref<168xf32, #tpu.memory_space<vmem>>[vector<16xi32>], vector<16xf32>,
        %parallel_loop3A_171 = arith.constant 2 : i32
        %parallel_loop3A_172 = vector.broadcast %parallel_loop3A_171 : i32 to vector<16xi32>
        %parallel_loop3A_173 = arith.addi %parallel_loop3A_145, %parallel_loop3A_172 : vector<16xi32>
        %parallel_loop3A_174 = tpu.vector_load_idx %arg5[%parallel_loop3A_173] : memref<168xf32, #tpu.memory_space<vmem>>[vector<16xi32>], vector<16xf32>,
        %parallel_loop3A_175 = arith.constant 3 : i32
        %parallel_loop3A_176 = vector.broadcast %parallel_loop3A_175 : i32 to vector<16xi32>
        %parallel_loop3A_177 = arith.addi %parallel_loop3A_145, %parallel_loop3A_176 : vector<16xi32>
        %parallel_loop3A_178 = tpu.vector_load_idx %arg5[%parallel_loop3A_177] : memref<168xf32, #tpu.memory_space<vmem>>[vector<16xi32>], vector<16xf32>,
        %parallel_loop3A_179 = arith.constant 4 : i32
        %parallel_loop3A_180 = vector.broadcast %parallel_loop3A_179 : i32 to vector<16xi32>
        %parallel_loop3A_181 = arith.addi %parallel_loop3A_145, %parallel_loop3A_180 : vector<16xi32>
        %parallel_loop3A_182 = tpu.vector_load_idx %arg5[%parallel_loop3A_181] : memref<168xf32, #tpu.memory_space<vmem>>[vector<16xi32>], vector<16xf32>,
        %parallel_loop3A_183 = arith.constant 5 : i32
        %parallel_loop3A_184 = vector.broadcast %parallel_loop3A_183 : i32 to vector<16xi32>
        %parallel_loop3A_185 = arith.addi %parallel_loop3A_145, %parallel_loop3A_184 : vector<16xi32>
        %parallel_loop3A_186 = tpu.vector_load_idx %arg5[%parallel_loop3A_185] : memref<168xf32, #tpu.memory_space<vmem>>[vector<16xi32>], vector<16xf32>,
        %parallel_loop3A_187 = arith.constant 6 : i32
        %parallel_loop3A_188 = vector.broadcast %parallel_loop3A_187 : i32 to vector<16xi32>
        %parallel_loop3A_189 = arith.addi %parallel_loop3A_145, %parallel_loop3A_188 : vector<16xi32>
        %parallel_loop3A_190 = tpu.vector_load_idx %arg5[%parallel_loop3A_189] : memref<168xf32, #tpu.memory_space<vmem>>[vector<16xi32>], vector<16xf32>,
        %parallel_loop3A_191 = arith.constant 7 : i32
        %parallel_loop3A_192 = vector.broadcast %parallel_loop3A_191 : i32 to vector<16xi32>
        %parallel_loop3A_193 = arith.addi %parallel_loop3A_145, %parallel_loop3A_192 : vector<16xi32>
        %parallel_loop3A_194 = tpu.vector_load_idx %arg5[%parallel_loop3A_193] : memref<168xf32, #tpu.memory_space<vmem>>[vector<16xi32>], vector<16xf32>,
        %parallel_loop3A_195 = tpu.memref_slice %arg9[%parallel_loop3A_162] : memref<40960xf32, #tpu.memory_space<vmem>> -> memref<128xf32, #tpu.memory_space<vmem>>
        tpu.vector_store_idx %parallel_loop3A_195[%add3A_8], %parallel_loop3A_166 : memref<128xf32, #tpu.memory_space<vmem>>[vector<16xi32>], vector<16xf32>,
        %parallel_loop3A_196 = tpu.memref_slice %arg9[%parallel_loop3A_162] : memref<40960xf32, #tpu.memory_space<vmem>> -> memref<128xf32, #tpu.memory_space<vmem>>
        tpu.vector_store_idx %parallel_loop3A_196[%add3A_14], %parallel_loop3A_170 : memref<128xf32, #tpu.memory_space<vmem>>[vector<16xi32>], vector<16xf32>,
        %parallel_loop3A_197 = tpu.memref_slice %arg9[%parallel_loop3A_162] : memref<40960xf32, #tpu.memory_space<vmem>> -> memref<128xf32, #tpu.memory_space<vmem>>
        tpu.vector_store_idx %parallel_loop3A_197[%add3A_20], %parallel_loop3A_174 : memref<128xf32, #tpu.memory_space<vmem>>[vector<16xi32>], vector<16xf32>,
        %parallel_loop3A_198 = tpu.memref_slice %arg9[%parallel_loop3A_162] : memref<40960xf32, #tpu.memory_space<vmem>> -> memref<128xf32, #tpu.memory_space<vmem>>
        tpu.vector_store_idx %parallel_loop3A_198[%add3A_26], %parallel_loop3A_178 : memref<128xf32, #tpu.memory_space<vmem>>[vector<16xi32>], vector<16xf32>,
        %parallel_loop3A_199 = tpu.memref_slice %arg9[%parallel_loop3A_162] : memref<40960xf32, #tpu.memory_space<vmem>> -> memref<128xf32, #tpu.memory_space<vmem>>
        tpu.vector_store_idx %parallel_loop3A_199[%add3A_32], %parallel_loop3A_182 : memref<128xf32, #tpu.memory_space<vmem>>[vector<16xi32>], vector<16xf32>,
        %parallel_loop3A_200 = tpu.memref_slice %arg9[%parallel_loop3A_162] : memref<40960xf32, #tpu.memory_space<vmem>> -> memref<128xf32, #tpu.memory_space<vmem>>
        tpu.vector_store_idx %parallel_loop3A_200[%add3A_38], %parallel_loop3A_186 : memref<128xf32, #tpu.memory_space<vmem>>[vector<16xi32>], vector<16xf32>,
        %parallel_loop3A_201 = tpu.memref_slice %arg9[%parallel_loop3A_162] : memref<40960xf32, #tpu.memory_space<vmem>> -> memref<128xf32, #tpu.memory_space<vmem>>
        tpu.vector_store_idx %parallel_loop3A_201[%add3A_44], %parallel_loop3A_190 : memref<128xf32, #tpu.memory_space<vmem>>[vector<16xi32>], vector<16xf32>,
        %parallel_loop3A_202 = tpu.memref_slice %arg9[%parallel_loop3A_162] : memref<40960xf32, #tpu.memory_space<vmem>> -> memref<128xf32, #tpu.memory_space<vmem>>
        tpu.vector_store_idx %parallel_loop3A_202[%add3A_50], %parallel_loop3A_194 : memref<128xf32, #tpu.memory_space<vmem>>[vector<16xi32>], vector<16xf32>,
      } {sc.loop_unroll_factor = 32 : i64, sc.parallel_access}
      %mul3A_131 = arith.constant 5120 : i32
      %mul3A_132 = arith.muli %add3A_107, %mul3A_131 : i32
      %add3A_133 = arith.addi %mul3A_2, %mul3A_132 : i32
      %mul3A_134 = arith.constant 8 : i32
      %mul3A_135 = arith.muli %add3A_133, %mul3A_134 : i32
      %dma_start3A_136 = tpu.memref_slice %arg4[%mul3A_135] : memref<52428800xf32, #tpu.memory_space<hbm>> -> memref<40960xf32, #tpu.memory_space<hbm>>
      %dma_start3A_137 = tpu.memref_slice %arg4[%mul3A_135] : memref<52428800xf32, #tpu.memory_space<hbm>> -> memref<40960xf32, #tpu.memory_space<hbm>>
      tpu.enqueue_dma source(%arg9 : memref<40960xf32, #tpu.memory_space<vmem>>) target(%dma_start3A_137 : memref<40960xf32, #tpu.memory_space<hbm>>) target_semaphore(%arg13 : memref<!tpu.dma_semaphore, #tpu.memory_space<semaphore_mem>>)
    }
    %scan3A_62 = arith.constant 20 : i32
    %add3A_63 = arith.constant 0 : i32
    %add3A_64 = arith.addi %mul3A_2, %add3A_63 : i32
    %mul3A_65 = arith.constant 8 : i32
    %mul3A_66 = arith.muli %add3A_64, %mul3A_65 : i32
    %dma_wait3A = tpu.memref_slice %arg4[%mul3A_66] : memref<52428800xf32, #tpu.memory_space<hbm>> -> memref<40960xf32, #tpu.memory_space<hbm>>
    %dma_wait3A_67 = tpu.memref_slice %arg4[%mul3A_66] : memref<52428800xf32, #tpu.memory_space<hbm>> -> memref<40960xf32, #tpu.memory_space<hbm>>
    tpu.wait_dma2 semaphore(%arg12 : memref<!tpu.dma_semaphore, #tpu.memory_space<semaphore_mem>>) src(%arg8 : memref<40960xf32, #tpu.memory_space<vmem>>) dst(%dma_wait3A_67 : memref<40960xf32, #tpu.memory_space<hbm>>)
    %add3A_68 = arith.constant 0 : i32
    %add3A_69 = arith.addi %mul3A_2, %add3A_68 : i32
    %mul3A_70 = arith.constant 8 : i32
    %mul3A_71 = arith.muli %add3A_69, %mul3A_70 : i32
    %dma_wait3A_72 = tpu.memref_slice %arg4[%mul3A_71] : memref<52428800xf32, #tpu.memory_space<hbm>> -> memref<40960xf32, #tpu.memory_space<hbm>>
    %dma_wait3A_73 = tpu.memref_slice %arg4[%mul3A_71] : memref<52428800xf32, #tpu.memory_space<hbm>> -> memref<40960xf32, #tpu.memory_space<hbm>>
    tpu.wait_dma2 semaphore(%arg13 : memref<!tpu.dma_semaphore, #tpu.memory_space<semaphore_mem>>) src(%arg9 : memref<40960xf32, #tpu.memory_space<vmem>>) dst(%dma_wait3A_73 : memref<40960xf32, #tpu.memory_space<hbm>>)
    return
  }
}

</mosaic_0001>

<sc_bundles>
// kernel: kernel.3.cloned.1.call-start
scs
__scs_entry_jumppad:
0x0: {  	(pc) =	sbr.rel $0x88, $3  }
0x1: {  	(tag) =	ssettag $0x0;
	lr =	simm.s32 $0x1  }
0x2: {  	[smem:$0x3F9F] =	sst lr;
	_ =	strace $0xD0000000  }
0x3: {  	_ = 	snop  }
0x4: {  	_ = 	snop  }
0x5: {  	_ = 	snop  }
0x6: {  	_ = 	snop  }
0x7: {  	_ = 	snop  }
__scs_overlays_trampoline_lowered:
0x8: {  	[smem:$0x3FAE] =	sst s0  }
0x9: {  	[smem:$0x3FAF] =	sst s1  }
0xa: {  	[smem:$0x3FB0] =	sst s2  }
0xb: {  	[smem:$0x3FB1] =	sst s3  }
0xc: {  	[smem:$0x3FB2] =	sst s4  }
0xd: {  	[smem:$0x3FB3] =	sst s5  }
0xe: {  	[smem:$0x3FB4] =	sst s6  }
0xf: {  	[smem:$0x3FB5] =	sst s7  }
0x10: {  	[smem:$0x3FB6] =	sst s8  }
0x11: {  	[smem:$0x3FB7] =	sst s9;
	s0 =	simm.s32 @!p0 $0x0  }
0x12: {  	s1 =	sld [smem:$0x3F9D];
	s0 =	simm.s32 @p0 $0x1  }
0x13: {  	[smem:$0x3FB8] =	sst s0;
	s0 =	simm.s32 @!p1 $0x0  }
0x14: {  	s2 =	sld [smem:$0x3F9C];
	s0 =	simm.s32 @p1 $0x1  }
0x15: {  	[smem:$0x3FB9] =	sst s0;
	s0 =	simm.s32 @!p2 $0x0  }
0x16: {  	s3 =	sld [smem:$0x3FDB];
	s0 =	simm.s32 @p2 $0x1  }
0x17: {  	s4 =	simm.s32 $0x1BF5;
	[smem:$0x3FBB] =	sst s0  }
0x18: {  	s0 =	sld [smem:$0x3F9E];
	_ =	swait.ge [sflag:s4], $0x0  }
0x19: {  	s7 =	sld [smem:$0x3F9F]  }
0x1a: {  	s8 =	sadd.s32 $0xFFFFE003, lr  }
0x1b: {  	s9 =	sadd.s32 $0xFFFFFEF7, lr;
	s5 =	simm.s32 $0xFFFFFFFF;
	p2 =	slt.u32 s8, $0xFFFFF086  }
0x1c: {  	p1 =	slt.u32 s9, $0xF7A;
	s5 =	simm.s32 @!p2 $0x0  }
0x1d: {  	s5 =	simm.s32 @p1 $0x1;
	p0 =	seq.s32 s7, s2  }
0x1e: {  	s7 =	smul.u32 @!p0 $0xF7A, s2;
	p2 =	seq.s32 @!p0 s5, $0x0  }
0x1f: {  	s9 =	smul.u32 $0xF7A, s1;
	s8 =	simm.s32 @!p0 $0x1BF5;
	p2 =	por !p2, p0  }
0x20: {  	[sflag:s8] =	ssyncset.s32 @!p0 $0xFFFFF086;
	s6 =	sadd.s32 @!p0 s3, s7;
	s7 =	simm.s32 @!p0 $0x108  }
0x21: {  	s3 =	sadd.s32 s3, s9;
	s6 =	sadd.s32 @!p0 $0x88, s6;
	s7 =	simm.s32 @p2 $0x1082  }
0x22: {  	[simem:s7], [sflag:s8] =	dma.local @!p0 [hbm:s6], $0xF7A  }
0x23: {  	s9 =	sor.u32 $0xD0000000, s2;
	s6 =	simm.s32 $0x108;
	_ =	swait.ge @!p0 [sflag:s8], $0x0  }
0x24: {  	s3 =	sadd.s32 $0x88, s3;
	s6 =	simm.s32 @!p1 $0x1082;
	[sflag:s4] =	ssyncset.s32 $0xFFFFF086  }
0x25: {  	[simem:s6], [sflag:s4] =	dma.local [hbm:s3], $0xF7A  }
0x26: {  	[smem:$0x3F9F] =	sst s1;
	(tag) =	ssettag s2;
	_ =	strace s9  }
0x27: {  	s1 =	sld [smem:$0x3FAF]  }
0x28: {  	s2 =	sld [smem:$0x3FB0]  }
0x29: {  	s4 =	sld [smem:$0x3FB2]  }
0x2a: {  	p0 =	seq.s32 s5, $0x0;
	s5 =	sld [smem:$0x3FB3]  }
0x2b: {  	s6 =	sld [smem:$0x3FB4]  }
0x2c: {  	s7 =	sld [smem:$0x3FB5]  }
0x2d: {  	s3 =	simm.s32 $0x108;
	s8 =	sld [smem:$0x3FB6]  }
0x2e: {  	s3 =	simm.s32 @!p0 $0x1082;
	s9 =	sld [smem:$0x3FB7]  }
0x2f: {  	lr =	sadd.s32 s0, s3;
	s0 =	sld [smem:$0x3FAE]  }
0x30: {  	s3 =	sld [smem:$0x3FB1]  }
0x31: {  	[smem:$0x3FBA] =	sst s10  }
0x32: {  	s10 =	sld [smem:$0x3FB8];
	_ =	sdelay $0x3  }
0x33: {  	p0 =	seq.s32 s10, $0x1;
	s10 =	sld [smem:$0x3FBA];
	_ =	sdelay $0x3  }
0x34: {  	[smem:$0x3FBA] =	sst s10  }
0x35: {  	s10 =	sld [smem:$0x3FB9];
	_ =	sdelay $0x3  }
0x36: {  	p1 =	seq.s32 s10, $0x1;
	s10 =	sld [smem:$0x3FBA];
	_ =	sdelay $0x3  }
0x37: {  	[smem:$0x3FBA] =	sst s10  }
0x38: {  	s10 =	sld [smem:$0x3FBB]  }
0x39: {  	_ = 	snop;
	(pc) =	sbr.ind lr, $3  }
0x3a: {  	_ = 	snop  }
0x3b: {  	_ = 	snop  }
0x3c: {  	p2 =	seq.s32 s10, $0x1;
	s10 =	sld [smem:$0x3FBA]  }
0x3d: {  	_ =	shalt  }
0x3e: {  	_ =	shalt  }
0x3f: {  	_ =	shalt  }
0x40: {  	_ =	shalt  }
0x41: {  	_ =	shalt  }
0x42: {  	_ =	shalt  }
0x43: {  	_ =	shalt  }
0x44: {  	_ =	shalt  }
0x45: {  	_ =	shalt  }
0x46: {  	_ =	shalt  }
0x47: {  	_ =	shalt  }
0x48: {  	_ =	shalt  }
0x49: {  	_ =	shalt  }
0x4a: {  	_ =	shalt  }
0x4b: {  	_ =	shalt  }
0x4c: {  	_ =	shalt  }
0x4d: {  	_ =	shalt  }
0x4e: {  	_ =	shalt  }
0x4f: {  	_ =	shalt  }
0x50: {  	_ =	shalt  }
0x51: {  	_ =	shalt  }
0x52: {  	_ =	shalt  }
0x53: {  	_ =	shalt  }
0x54: {  	_ =	shalt  }
0x55: {  	_ =	shalt  }
0x56: {  	_ =	shalt  }
0x57: {  	_ =	shalt  }
0x58: {  	_ =	shalt  }
0x59: {  	_ =	shalt  }
0x5a: {  	_ =	shalt  }
0x5b: {  	_ =	shalt  }
0x5c: {  	_ =	shalt  }
0x5d: {  	_ =	shalt  }
0x5e: {  	_ =	shalt  }
0x5f: {  	_ =	shalt  }
0x60: {  	_ =	shalt  }
0x61: {  	_ =	shalt  }
0x62: {  	_ =	shalt  }
0x63: {  	_ =	shalt  }
0x64: {  	_ =	shalt  }
0x65: {  	_ =	shalt  }
0x66: {  	_ =	shalt  }
0x67: {  	_ =	shalt  }
0x68: {  	_ =	shalt  }
0x69: {  	_ =	shalt  }
0x6a: {  	_ =	shalt  }
0x6b: {  	_ =	shalt  }
0x6c: {  	_ =	shalt  }
0x6d: {  	_ =	shalt  }
0x6e: {  	_ =	shalt  }
0x6f: {  	_ =	shalt  }
0x70: {  	_ =	shalt  }
0x71: {  	_ =	shalt  }
0x72: {  	_ =	shalt  }
0x73: {  	_ =	shalt  }
0x74: {  	_ =	shalt  }
0x75: {  	_ =	shalt  }
0x76: {  	_ =	shalt  }
0x77: {  	_ =	shalt  }
0x78: {  	_ =	shalt  }
0x79: {  	_ =	shalt  }
0x7a: {  	_ =	shalt  }
0x7b: {  	_ =	shalt  }
0x7c: {  	_ =	shalt  }
0x7d: {  	_ =	shalt  }
0x7e: {  	_ =	shalt  }
0x7f: {  	_ =	shalt  }
0x80: {  	_ =	shalt  }
0x81: {  	_ =	shalt  }
0x82: {  	_ =	shalt  }
0x83: {  	_ =	shalt  }
0x84: {  	_ =	shalt  }
0x85: {  	_ =	shalt  }
0x86: {  	_ =	shalt  }
0x87: {  	_ =	shalt  }
.Lfunc_end0:
.L_simem_size_0:
called_computation_lowered:
.L_overlay_start_0:
0x88: {  	s2 =	sld [smem:$0x3FD9]  }
0x89: {  	s3 =	sld [smem:$0x3FFE];
	_ =	sdelay $0x1  }
0x8a: {  	s1 =	srdreg.scid  }
0x8b: {  	s0 =	sand.u32 $0x1, s1  }
0x8c: {  	s17 =	sshll.u32 s0, $0xA;
	s2 =	sadd.s32 s3, s2  }
0x8d: {  	s2 =	sadd.s32 s2, s17  }
0x8e: {  	[smem:$0x3FC6] =	sst s2  }
0x8f: {  	_ = 	snop  }
0x90: {  	s2 =	sld [smem:$0x3FD0];
	(tm) =	ssettm $0x1  }
0x91: {  	s18 =	sld [smem:$0x3FFB];
	_ =	sdelay $0x3  }
0x92: {  	_ =	strace s18  }
0x93: {  	s3 =	sld [smem:$0x3FFC];
	_ =	sdelay $0x3  }
0x94: {  	_ =	strace s3  }
0x95: {  	s3 =	sld [smem:$0x3FFD];
	_ =	sdelay $0x3  }
0x96: {  	_ =	strace s3  }
0x97: {  	_ =	strace $0x8FFFFFFF  }
0x98: {  	s19 =	sld [smem:$0x3FDB];
	_ =	sdelay $0x1  }
0x99: {  	s4 =	simm.s32 $_scs_section_size  }
0x9a: {  	s5 =	simm.s32 $_size__tile_overlayer_lowered;
	s6 =	simm.s32 $_tile_overlayer_lowered  }
0x9b: {  	s22 =	simm.s32 $0x1BFF;
	s21 =	sshll.u32 s6, $0x1;
	s3 =	sadd.s32 s4, s19  }
0x9c: {  	s7 =	simm.s32 $0x0;
	s20 =	sshll.u32 s5, $0x1;
	s5 =	sadd.s32 s21, s3  }
0x9d: {  	[timem:s7], [sflag:s22] =	dma.local [hbm:s5], s20  }
0x9e: {  	_ =	swait.ge [sflag:s22], s20  }
0x9f: {  	s4 =	ssub.s32 $0x0, s20;
	[sflag:s22] =	ssyncset.done $0x0  }
0xa0: {  	[sflag:s22] =	ssyncadd.s32 s4;
	_ =	sdelay $0x1  }
0xa1: {  	s23 =	simm.s32 $0x1B8B  }
0xa2: {  	_ =	swait.ge [sflag:s23], $0x1  }
0xa3: {  	[sflag:s23] =	ssyncset.done $0x0  }
0xa4: {  	s25 =	simm.s32 $0x1B8E;
	s24 =	sld [smem:$0x3FFE];
	[sflag:s23] =	ssyncadd.s32 $0xFFFFFFFF  }
0xa5: {  	s26 =	simm.s32 $execute0_lowered;
	[smem:$0x3FD2] =	sst s25  }
0xa6: {  	s5 =	sshll.u32 s26, $0x1;
	_ =	strace $0x80000046;
	[dreg:$0x1] =	wrdreg $0xFFFFFFFF  }
0xa7: {  	s28 =	simm.s32 $_size_execute0_lowered;
	s3 =	sadd.s32 s3, s5;
	[dreg:$0x0] =	wrdreg $0x0  }
0xa8: {  	s5 =	sshll.u32 s28, $0x1;
	[dreg:$0x2] =	wrdreg s3  }
0xa9: {  	[dreg:$0x3] =	wrdreg s5  }
0xaa: {  	[dreg:$0x4] =	wrdreg $0xC0  }
0xab: {  	_ =	task [dreg:s7], $0x5FFFF  }
0xac: {  	[dreg:$0x1] =	wrdreg $0xFFFFFFFF  }
0xad: {  	[dreg:$0x0] =	wrdreg $0x60  }
0xae: {  	[dreg:$0x2] =	wrdreg s24  }
0xaf: {  	[dreg:$0x3] =	wrdreg s2  }
0xb0: {  	[dreg:$0x4] =	wrdreg $0x9  }
0xb1: {  	_ =	task.clear_ibuf [dreg:s7], $0x5FFFF;
	_ =	strace $0x90000046  }
0xb2: {  	s29 =	simm.s32 $0x9;
	_ =	strace $0x80000048  }
0xb3: {  	_ =	swait.ge [sflag:s29], $0x1  }
0xb4: {  	[sflag:s29] =	ssyncadd.s32 $0xFFFFFFFF  }
0xb5: {  	_ =	strace $0x90000048  }
0xb6: {  	_ =	sfence  }
0xb7: {  	s30 =	sld [smem:$0x0];
	_ =	sdelay $0x2  }
0xb8: {  	s31 =	sshll.u32 s1, $0xD;
	s1 =	sshrl.u32 s1, $0x2  }
0xb9: {  	s3 =	sand.u32 $0x4000, s31;
	s1 =	sadd.s32 s1, s30  }
0xba: {  	s0 =	sor.u32 s3, s0;
	s1 =	sshll.u32 s1, $0x11  }
0xbb: {  	s0 =	sor.u32 s1, s0  }
0xbc: {  	s0 =	sadd.s32 $0x8F2B, s0  }
0xbd: {  	[sflag:s0] =	ssyncadd.remote.s32 $0x1  }
0xbe: {  	_ =	sfence.sel $0xFFFF  }
0xbf: {  	[dreg:$0x0] =	wrdreg $0xFFFFFFFF;
	(pc) =	sbr.abs _section_cstart, $3  }
0xc0: {  	[dreg:$0x1] =	wrdreg $0xFFFFFFFF  }
0xc1: {  	_ =	task.clear_ibuf [dreg:s7], $0x2FFFF;
	_ =	strace $0x9FFFFFFF  }
0xc2: {  	(tm) =	ssettm $0x7FFFFFFF  }
0xc3: {  	_ =	shalt  }
tec
execute0_lowered:
.L_overlay_start_1:
0x0: {  	(tag) =	ssettag $0x1  }
0x1: {  	s0 =	rddreg [dreg:$0x0];
	s1 =	srdreg.scid  }
0x2: {  	s2 =	stileid.u32;
	s6 =	rddreg [dreg:$0x1];
	s3 =	simm.s32 $0x0  }
0x3: {  	s13 =	simm.s32 $0x1;
	s16 =	simm.s32 $0x2;
	s19 =	simm.s32 $0x4  }
0x4: {  	s1 =	sand.u32 $0x1, s1;
	s2 =	sshll.u32 s2, $0x1;
	[smem:$0x7FF] =	sst s3  }
0x5: {  	v0 =	vlaneseq.u32;
	s4 =	sadd.s32 $0x600, s0;
	s2 =	sor.u32 s1, s2;
	s1 =	ssub.s32 $0x2, s1  }
0x6: {  	s0 =	sadd.s32 $0x400, s0;
	v0 =	vmul.u32 $0x8, v0;
	s2 =	smul.u32 $0x32000, s2;
	s5 =	sshrl.u32 s1, $0x1  }
0x7: {  	_ =	strace $0x80000047;
	[dreg:$0x3] =	wrdreg s0;
	s30 =	ssub.s32 s1, s5  }
0x8: {  	v1 =	vor.u32 $0x1, v0;
	s31 =	sshrl.u32 s2, $0x3;
	s7 =	sor.u32 $0x1400, s2;
	s0 =	smax.u32 s30, $0x1  }
0x9: {  	v2 =	vor.u32 $0x2, v0;
	v3 =	vor.u32 $0x3, v0;
	v4 =	vor.u32 $0x4, v0;
	s8 =	sadd.s32 s6, s2;
	s1 =	sadd.s32 s4, s31;
	[dreg:$0x5] =	wrdreg s0  }
0xa: {  	v5 =	vor.u32 $0x5, v0;
	v6 =	vor.u32 $0x6, v0;
	v7 =	vor.u32 $0x7, v0;
	s9 =	sadd.s32 $0x2800, s2;
	[dreg:$0x4] =	wrdreg s1;
	s1 =	simm.s32 $0x0  }
.LBB2_1:
0xb: {  	[dreg:$0x6] =	wrdreg s1  }
0xc: {  	s0 =	rddreg [dreg:$0x3];
	s29 =	simm.s32 $0x5  }
0xd: {  	[tilespmem:s3], [sflag:$0x5] =	stream.linear.gather [hbm4b:s0+s3], $0x100, $0x38;
	[tilespmem:$0x16A00] =	vst v63  }
0xe: {  	_ =	swait.ge [sflag:s29], $0x100  }
0xf: {  	s31 =	simm.s32 $0x100;
	[sflag:s29] =	ssyncset.done $0x0  }
0x10: {  	s21 =	simm.s32 $0x0;
	s30 =	rddreg [dreg:$0x4];
	[sflag:s29] =	ssyncadd.s32 $0xFFFFFF00  }
0x11: {  	[tilespmem:s31], [sflag:$0x1] =	stream.linear.gather [hbm4b:s30+s3], $0x1400, $0x38;
	[tilespmem:$0x16A00] =	vst v63  }
.LBB2_2:
0x12: {  	s23 =	smul.u32 $0x2800, s21;
	_ =	sdelay $0x1  }
0x13: {  	_ =	swait.ge [sflag:s13], $0x1400;
	s22 =	sadd.s32 s23, s7  }
0x14: {  	s1 =	simm.s32 $0x1580;
	[sflag:s13] =	ssyncset.done $0x0;
	s0 =	sshrl.u32 s22, $0x3  }
0x15: {  	p0 =	seq.s32 s21, $0x0;
	[sflag:s13] =	ssyncadd.s32 $0xFFFFEC00;
	s0 =	sadd.s32 s4, s0  }
0x16: {  	[tilespmem:s1], [sflag:$0x2] =	stream.linear.gather [hbm4b:s0+s3], $0x1400, $0x38;
	[tilespmem:$0x16A00] =	vst v63  }
0x17: {  	s0 =	simm.s32 @!p0 $0x3  }
0x18: {  	_ =	swait.ge @!p0 [sflag:s0], $0xA000  }
0x19: {  	[sflag:s0] =	ssyncset.done @!p0 $0x0  }
0x1a: {  	s24 =	simm.s32 $0x0;
	[sflag:s0] =	ssyncadd.s32 @!p0 $0xFFFF6000  }
.LBB2_3:
0x1b: {  	s0 =	sshll.u32 s24, $0x4  }
0x1c: {  	s0 =	sand.u32 $0x3FFFFFF0, s0  }
0x1d: {  	v8 =	vld [tilespmem:s0+$0x100]  }
0x1e: {  	v20 =	vld [tilespmem:s0+$0x120];
	_ =	sdelay $0x3  }
0x1f: {  	v8 =	vshll.u32 v8, $0x3  }
0x20: {  	v49 =	vshll.u32 v20, $0x3  }
0x21: {  	v9 =	vor.u32 $0x1, v8  }
0x22: {  	v10 =	vor.u32 $0x2, v8  }
0x23: {  	v13 =	vld [tilespmem:s0+$0x110];
	v11 =	vor.u32 $0x3, v8  }
0x24: {  	v12 =	vor.u32 $0x4, v8;
	v14 =	vld.idx.msk [tilespmem:v8+s3+$0x0], $0xffff  }
0x25: {  	v15 =	vor.u32 $0x5, v8;
	v56 =	vld.idx.msk [tilespmem:v49+s3+$0x0], $0xffff  }
0x26: {  	v16 =	vor.u32 $0x6, v8;
	v9 =	vld.idx.msk [tilespmem:v9+s3+$0x0], $0xffff  }
0x27: {  	v51 =	vor.u32 $0x1, v49;
	v10 =	vld.idx.msk [tilespmem:v10+s3+$0x0], $0xffff  }
0x28: {  	v20 =	vor.u32 $0x2, v49;
	v11 =	vld.idx.msk [tilespmem:v11+s3+$0x0], $0xffff  }
0x29: {  	v54 =	vor.u32 $0x3, v49;
	v12 =	vld.idx.msk [tilespmem:v12+s3+$0x0], $0xffff  }
0x2a: {  	v55 =	vor.u32 $0x4, v49;
	v15 =	vld.idx.msk [tilespmem:v15+s3+$0x0], $0xffff  }
0x2b: {  	v57 =	vor.u32 $0x5, v49;
	v16 =	vld.idx.msk [tilespmem:v16+s3+$0x0], $0xffff  }
0x2c: {  	v59 =	vor.u32 $0x6, v49;
	v58 =	vld.idx.msk [tilespmem:v51+s3+$0x0], $0xffff  }
0x2d: {  	v8 =	vor.u32 $0x7, v8;
	v34 =	vld.idx.msk [tilespmem:v20+s3+$0x0], $0xffff  }
0x2e: {  	v60 =	vor.u32 $0x7, v49;
	v35 =	vld.idx.msk [tilespmem:v54+s3+$0x0], $0xffff  }
0x2f: {  	v13 =	vshll.u32 v13, $0x3;
	v36 =	vld.idx.msk [tilespmem:v55+s3+$0x0], $0xffff  }
0x30: {  	s1 =	sshll.u32 s24, $0x7;
	v17 =	vor.u32 $0x1, v13;
	v37 =	vld.idx.msk [tilespmem:v57+s3+$0x0], $0xffff  }
0x31: {  	s18 =	sand.u32 $0x3FFFFF80, s1;
	v18 =	vor.u32 $0x2, v13;
	v38 =	vld.idx.msk [tilespmem:v59+s3+$0x0], $0xffff  }
0x32: {  	v19 =	vor.u32 $0x3, v13;
	v8 =	vld.idx.msk [tilespmem:v8+s3+$0x0], $0xffff;
	[tilespmem:v0+s18+$0x2A00] =	vst.idx.msk $0xffff, v14  }
0x33: {  	v21 =	vor.u32 $0x4, v13;
	v39 =	vld.idx.msk [tilespmem:v60+s3+$0x0], $0xffff;
	[tilespmem:v0+s18+$0x2A80] =	vst.idx.msk $0xffff, v56  }
0x34: {  	v22 =	vor.u32 $0x5, v13;
	v44 =	vld.idx.msk [tilespmem:v13+s3+$0x0], $0xffff;
	[tilespmem:v1+s18+$0x2A00] =	vst.idx.msk $0xffff, v9  }
0x35: {  	v46 =	vor.u32 $0x6, v13;
	v45 =	vld.idx.msk [tilespmem:v17+s3+$0x0], $0xffff;
	[tilespmem:v2+s18+$0x2A00] =	vst.idx.msk $0xffff, v10  }
0x36: {  	v13 =	vor.u32 $0x7, v13;
	v47 =	vld.idx.msk [tilespmem:v18+s3+$0x0], $0xffff;
	[tilespmem:v3+s18+$0x2A00] =	vst.idx.msk $0xffff, v11  }
0x37: {  	v48 =	vld.idx.msk [tilespmem:v19+s3+$0x0], $0xffff;
	[tilespmem:v4+s18+$0x2A00] =	vst.idx.msk $0xffff, v12  }
0x38: {  	v50 =	vld.idx.msk [tilespmem:v21+s3+$0x0], $0xffff;
	[tilespmem:v5+s18+$0x2A00] =	vst.idx.msk $0xffff, v15  }
0x39: {  	v52 =	vld.idx.msk [tilespmem:v22+s3+$0x0], $0xffff;
	[tilespmem:v6+s18+$0x2A00] =	vst.idx.msk $0xffff, v16  }
0x3a: {  	v53 =	vld.idx.msk [tilespmem:v46+s3+$0x0], $0xffff;
	[tilespmem:v7+s18+$0x2A00] =	vst.idx.msk $0xffff, v8  }
0x3b: {  	v8 =	vld.idx.msk [tilespmem:v13+s3+$0x0], $0xffff;
	[tilespmem:v0+s18+$0x2E00] =	vst.idx.msk $0xffff, v44  }
0x3c: {  	[tilespmem:v1+s18+$0x2E00] =	vst.idx.msk $0xffff, v45  }
0x3d: {  	[tilespmem:v2+s18+$0x2E00] =	vst.idx.msk $0xffff, v47  }
0x3e: {  	[tilespmem:v3+s18+$0x2E00] =	vst.idx.msk $0xffff, v48  }
0x3f: {  	[tilespmem:v4+s18+$0x2E00] =	vst.idx.msk $0xffff, v50  }
0x40: {  	[tilespmem:v5+s18+$0x2E00] =	vst.idx.msk $0xffff, v52  }
0x41: {  	[tilespmem:v6+s18+$0x2E00] =	vst.idx.msk $0xffff, v53  }
0x42: {  	[tilespmem:v7+s18+$0x2E00] =	vst.idx.msk $0xffff, v8  }
0x43: {  	[tilespmem:v1+s18+$0x2A80] =	vst.idx.msk $0xffff, v58  }
0x44: {  	v8 =	vld [tilespmem:s0+$0x130]  }
0x45: {  	v40 =	vld [tilespmem:s0+$0x140]  }
0x46: {  	v41 =	vld [tilespmem:s0+$0x150]  }
0x47: {  	v33 =	vld [tilespmem:s0+$0x160]  }
0x48: {  	v32 =	vld [tilespmem:s0+$0x170]  }
0x49: {  	v31 =	vld [tilespmem:s0+$0x180]  }
0x4a: {  	v30 =	vld [tilespmem:s0+$0x190]  }
0x4b: {  	v29 =	vld [tilespmem:s0+$0x1A0]  }
0x4c: {  	v28 =	vld [tilespmem:s0+$0x1B0]  }
0x4d: {  	v27 =	vld [tilespmem:s0+$0x1C0]  }
0x4e: {  	s14 =	sor.u32 $0x10, s24;
	v26 =	vld [tilespmem:s0+$0x1D0]  }
0x4f: {  	s2 =	sor.u32 $0x11, s24;
	s31 =	sshll.u32 s14, $0x4;
	v25 =	vld [tilespmem:s0+$0x1E0]  }
0x50: {  	s20 =	sor.u32 $0x12, s24;
	s6 =	sshll.u32 s2, $0x4;
	s5 =	sand.u32 $0x3FFFFFF0, s31;
	v24 =	vld [tilespmem:s0+$0x1F0]  }
0x51: {  	s11 =	sor.u32 $0x13, s24;
	s12 =	sshll.u32 s20, $0x4;
	s10 =	sand.u32 $0x3FFFFFF0, s6;
	v23 =	vld [tilespmem:s5+$0x100]  }
0x52: {  	s17 =	sshll.u32 s11, $0x4;
	s15 =	sand.u32 $0x3FFFFFF0, s12;
	s6 =	sor.u32 $0x15, s24;
	v22 =	vld [tilespmem:s10+$0x100]  }
0x53: {  	s25 =	sand.u32 $0x3FFFFFF0, s17;
	s12 =	sor.u32 $0x17, s24;
	s29 =	sshll.u32 s6, $0x4;
	v21 =	vld [tilespmem:s15+$0x100]  }
0x54: {  	s30 =	sand.u32 $0x3FFFFFF0, s29;
	s10 =	sor.u32 $0x14, s24;
	v20 =	vld [tilespmem:s25+$0x100];
	s25 =	sshll.u32 s12, $0x4  }
0x55: {  	s5 =	sor.u32 $0x16, s24;
	v18 =	vld [tilespmem:s30+$0x100];
	s26 =	sshll.u32 s10, $0x4;
	s25 =	sand.u32 $0x3FFFFFF0, s25  }
0x56: {  	s0 =	sor.u32 $0x18, s24;
	s31 =	sshll.u32 s5, $0x4;
	s28 =	sand.u32 $0x3FFFFFF0, s26;
	v16 =	vld [tilespmem:s25+$0x100];
	v42 =	vshll.u32 v8, $0x3  }
0x57: {  	s1 =	sand.u32 $0x3FFFFFF0, s31;
	s26 =	sshll.u32 s0, $0x4;
	s31 =	sor.u32 $0x1A, s24;
	v19 =	vld [tilespmem:s28+$0x100];
	v40 =	vshll.u32 v40, $0x3  }
0x58: {  	v17 =	vld [tilespmem:s1+$0x100];
	s15 =	sand.u32 $0x3FFFFFF0, s26;
	s29 =	sshll.u32 s31, $0x4;
	v43 =	vor.u32 $0x1, v42  }
0x59: {  	v15 =	vld [tilespmem:s15+$0x100];
	s15 =	sand.u32 $0x3FFFFFF0, s29;
	v44 =	vor.u32 $0x2, v42  }
0x5a: {  	v13 =	vld [tilespmem:s15+$0x100];
	v45 =	vor.u32 $0x3, v42  }
0x5b: {  	v46 =	vor.u32 $0x4, v42;
	v47 =	vld.idx.msk [tilespmem:v42+s3+$0x0], $0xffff  }
0x5c: {  	v48 =	vor.u32 $0x5, v42;
	v57 =	vld.idx.msk [tilespmem:v40+s3+$0x0], $0xffff  }
0x5d: {  	v49 =	vor.u32 $0x6, v42;
	v43 =	vld.idx.msk [tilespmem:v43+s3+$0x0], $0xffff  }
0x5e: {  	[tilespmem:v2+s18+$0x2A80] =	vst.idx.msk $0xffff, v34;
	v63 =	vor.u32 $0x1, v40;
	v61 =	vld.idx.msk [tilespmem:v44+s3+$0x0], $0xffff  }
0x5f: {  	[tilespmem:v3+s18+$0x2A80] =	vst.idx.msk $0xffff, v35;
	v56 =	vor.u32 $0x4, v40;
	v62 =	vld.idx.msk [tilespmem:v45+s3+$0x0], $0xffff  }
0x60: {  	[tilespmem:v4+s18+$0x2A80] =	vst.idx.msk $0xffff, v36;
	v42 =	vor.u32 $0x7, v42;
	v36 =	vld.idx.msk [tilespmem:v46+s3+$0x0], $0xffff  }
0x61: {  	[tilespmem:v5+s18+$0x2A80] =	vst.idx.msk $0xffff, v37;
	v58 =	vor.u32 $0x5, v40;
	v37 =	vld.idx.msk [tilespmem:v48+s3+$0x0], $0xffff  }
0x62: {  	v52 =	vor.u32 $0x2, v40;
	v53 =	vld.idx.msk [tilespmem:v49+s3+$0x0], $0xffff  }
0x63: {  	v60 =	vor.u32 $0x6, v40;
	v59 =	vld.idx.msk [tilespmem:v63+s3+$0x0], $0xffff  }
0x64: {  	v54 =	vor.u32 $0x3, v40;
	v63 =	vld.idx.msk [tilespmem:v56+s3+$0x0], $0xffff  }
0x65: {  	v40 =	vor.u32 $0x7, v40;
	v55 =	vld.idx.msk [tilespmem:v42+s3+$0x0], $0xffff;
	[tilespmem:v0+s18+$0x2E80] =	vst.idx.msk $0xffff, v47  }
0x66: {  	v50 =	vld.idx.msk [tilespmem:v58+s3+$0x0], $0xffff;
	[tilespmem:v1+s18+$0x2E80] =	vst.idx.msk $0xffff, v43  }
0x67: {  	[tilespmem:v2+s18+$0x2E80] =	vst.idx.msk $0xffff, v61;
	v61 =	vld.idx.msk [tilespmem:v52+s3+$0x0], $0xffff  }
0x68: {  	s1 =	sor.u32 $0x19, s24;
	v52 =	vld.idx.msk [tilespmem:v60+s3+$0x0], $0xffff  }
0x69: {  	s30 =	sor.u32 $0x1B, s24;
	s17 =	sshll.u32 s1, $0x4;
	v41 =	vshll.u32 v41, $0x3;
	[tilespmem:v3+s18+$0x2E80] =	vst.idx.msk $0xffff, v62;
	v62 =	vld.idx.msk [tilespmem:v54+s3+$0x0], $0xffff  }
0x6a: {  	s29 =	sor.u32 $0x1C, s24;
	s28 =	sand.u32 $0x3FFFFFF0, s17;
	s17 =	sshll.u32 s30, $0x4;
	v49 =	vor.u32 $0x1, v41;
	v54 =	vld.idx.msk [tilespmem:v40+s3+$0x0], $0xffff;
	[tilespmem:v0+s18+$0x2B00] =	vst.idx.msk $0xffff, v57  }
0x6b: {  	s15 =	sshll.u32 s29, $0x4;
	v14 =	vld [tilespmem:s28+$0x100];
	s26 =	sand.u32 $0x3FFFFFF0, s17;
	v58 =	vor.u32 $0x6, v41;
	[tilespmem:v4+s18+$0x2E80] =	vst.idx.msk $0xffff, v36  }
0x6c: {  	s17 =	sand.u32 $0x3FFFFFF0, s15;
	v51 =	vor.u32 $0x2, v41;
	v12 =	vld [tilespmem:s26+$0x100];
	[tilespmem:v1+s18+$0x2B00] =	vst.idx.msk $0xffff, v59  }
0x6d: {  	v11 =	vld [tilespmem:s17+$0x100];
	v57 =	vor.u32 $0x5, v41;
	[tilespmem:v5+s18+$0x2E80] =	vst.idx.msk $0xffff, v37  }
0x6e: {  	v56 =	vld.idx.msk [tilespmem:v41+s3+$0x0], $0xffff;
	[tilespmem:v6+s18+$0x2E80] =	vst.idx.msk $0xffff, v53;
	v53 =	vor.u32 $0x3, v41  }
0x6f: {  	v33 =	vshll.u32 v33, $0x3;
	v42 =	vld.idx.msk [tilespmem:v49+s3+$0x0], $0xffff;
	[tilespmem:v7+s18+$0x2E80] =	vst.idx.msk $0xffff, v55  }
0x70: {  	v49 =	vld.idx.msk [tilespmem:v58+s3+$0x0], $0xffff;
	v55 =	vor.u32 $0x4, v41;
	[tilespmem:v2+s18+$0x2B00] =	vst.idx.msk $0xffff, v61  }
0x71: {  	v59 =	vld.idx.msk [tilespmem:v51+s3+$0x0], $0xffff;
	v41 =	vor.u32 $0x7, v41;
	[tilespmem:v3+s18+$0x2B00] =	vst.idx.msk $0xffff, v62  }
0x72: {  	v48 =	vor.u32 $0x2, v33;
	[tilespmem:v4+s18+$0x2B00] =	vst.idx.msk $0xffff, v63;
	v63 =	vld.idx.msk [tilespmem:v57+s3+$0x0], $0xffff  }
0x73: {  	v62 =	vor.u32 $0x1, v33;
	v60 =	vld.idx.msk [tilespmem:v53+s3+$0x0], $0xffff  }
0x74: {  	[tilespmem:v5+s18+$0x2B00] =	vst.idx.msk $0xffff, v50;
	v50 =	vor.u32 $0x3, v33;
	v53 =	vld.idx.msk [tilespmem:v33+s3+$0x0], $0xffff  }
0x75: {  	[tilespmem:v6+s18+$0x2B00] =	vst.idx.msk $0xffff, v52;
	v52 =	vor.u32 $0x4, v33;
	v61 =	vld.idx.msk [tilespmem:v55+s3+$0x0], $0xffff  }
0x76: {  	[tilespmem:v7+s18+$0x2B00] =	vst.idx.msk $0xffff, v54;
	v51 =	vld.idx.msk [tilespmem:v41+s3+$0x0], $0xffff;
	v54 =	vor.u32 $0x5, v33  }
0x77: {  	[tilespmem:v0+s18+$0x2F00] =	vst.idx.msk $0xffff, v56;
	v55 =	vor.u32 $0x6, v33;
	v56 =	vld.idx.msk [tilespmem:v48+s3+$0x0], $0xffff  }
0x78: {  	v33 =	vor.u32 $0x7, v33;
	v40 =	vld.idx.msk [tilespmem:v62+s3+$0x0], $0xffff  }
0x79: {  	[tilespmem:v1+s18+$0x2F00] =	vst.idx.msk $0xffff, v42;
	v57 =	vld.idx.msk [tilespmem:v50+s3+$0x0], $0xffff  }
0x7a: {  	v32 =	vshll.u32 v32, $0x3;
	[tilespmem:v2+s18+$0x2F00] =	vst.idx.msk $0xffff, v59;
	v58 =	vld.idx.msk [tilespmem:v52+s3+$0x0], $0xffff  }
0x7b: {  	s28 =	sor.u32 $0x1D, s24;
	v48 =	vor.u32 $0x4, v32;
	[tilespmem:v3+s18+$0x2F00] =	vst.idx.msk $0xffff, v60;
	v60 =	vld.idx.msk [tilespmem:v54+s3+$0x0], $0xffff  }
0x7c: {  	s15 =	sshll.u32 s28, $0x4;
	s26 =	sor.u32 $0x1E, s24;
	[tilespmem:v4+s18+$0x2F00] =	vst.idx.msk $0xffff, v61;
	v62 =	vld.idx.msk [tilespmem:v55+s3+$0x0], $0xffff  }
0x7d: {  	s15 =	sand.u32 $0x3FFFFFF0, s15;
	s17 =	sshll.u32 s26, $0x4;
	v59 =	vor.u32 $0x1, v32;
	v33 =	vld.idx.msk [tilespmem:v33+s3+$0x0], $0xffff;
	[tilespmem:v0+s18+$0x2B80] =	vst.idx.msk $0xffff, v53  }
0x7e: {  	v10 =	vld [tilespmem:s15+$0x100];
	s15 =	sand.u32 $0x3FFFFFF0, s17;
	v50 =	vor.u32 $0x5, v32;
	[tilespmem:v5+s18+$0x2F00] =	vst.idx.msk $0xffff, v63  }
0x7f: {  	v9 =	vld [tilespmem:s15+$0x100];
	v52 =	vor.u32 $0x6, v32;
	[tilespmem:v1+s18+$0x2B80] =	vst.idx.msk $0xffff, v40  }
0x80: {  	v61 =	vor.u32 $0x2, v32;
	v55 =	vld.idx.msk [tilespmem:v48+s3+$0x0], $0xffff;
	[tilespmem:v6+s18+$0x2F00] =	vst.idx.msk $0xffff, v49  }
0x81: {  	v63 =	vor.u32 $0x3, v32;
	v49 =	vld.idx.msk [tilespmem:v32+s3+$0x0], $0xffff;
	[tilespmem:v2+s18+$0x2B80] =	vst.idx.msk $0xffff, v56  }
0x82: {  	v31 =	vshll.u32 v31, $0x3;
	[tilespmem:v7+s18+$0x2F00] =	vst.idx.msk $0xffff, v51;
	v51 =	vld.idx.msk [tilespmem:v59+s3+$0x0], $0xffff  }
0x83: {  	v32 =	vor.u32 $0x7, v32;
	[tilespmem:v3+s18+$0x2B80] =	vst.idx.msk $0xffff, v57;
	v57 =	vld.idx.msk [tilespmem:v50+s3+$0x0], $0xffff  }
0x84: {  	v56 =	vor.u32 $0x1, v31;
	v59 =	vld.idx.msk [tilespmem:v52+s3+$0x0], $0xffff  }
0x85: {  	[tilespmem:v4+s18+$0x2B80] =	vst.idx.msk $0xffff, v58;
	v58 =	vor.u32 $0x2, v31;
	v53 =	vld.idx.msk [tilespmem:v61+s3+$0x0], $0xffff  }
0x86: {  	[tilespmem:v5+s18+$0x2B80] =	vst.idx.msk $0xffff, v60;
	v60 =	vor.u32 $0x3, v31;
	v54 =	vld.idx.msk [tilespmem:v63+s3+$0x0], $0xffff  }
0x87: {  	v61 =	vor.u32 $0x4, v31;
	[tilespmem:v6+s18+$0x2B80] =	vst.idx.msk $0xffff, v62;
	v62 =	vld.idx.msk [tilespmem:v31+s3+$0x0], $0xffff  }
0x88: {  	[tilespmem:v6+s18+$0x2A80] =	vst.idx.msk $0xffff, v38;
	v63 =	vor.u32 $0x5, v31;
	v32 =	vld.idx.msk [tilespmem:v32+s3+$0x0], $0xffff  }
0x89: {  	[tilespmem:v7+s18+$0x2A80] =	vst.idx.msk $0xffff, v39;
	v48 =	vor.u32 $0x6, v31;
	v39 =	vld.idx.msk [tilespmem:v56+s3+$0x0], $0xffff  }
0x8a: {  	v31 =	vor.u32 $0x7, v31;
	[tilespmem:v0+s18+$0x2F80] =	vst.idx.msk $0xffff, v49;
	v49 =	vld.idx.msk [tilespmem:v58+s3+$0x0], $0xffff  }
0x8b: {  	v30 =	vshll.u32 v30, $0x3;
	[tilespmem:v7+s18+$0x2B80] =	vst.idx.msk $0xffff, v33;
	v50 =	vld.idx.msk [tilespmem:v60+s3+$0x0], $0xffff  }
0x8c: {  	[tilespmem:v1+s18+$0x2F80] =	vst.idx.msk $0xffff, v51;
	v51 =	vor.u32 $0x1, v30;
	v33 =	vld.idx.msk [tilespmem:v61+s3+$0x0], $0xffff  }
0x8d: {  	v58 =	vor.u32 $0x5, v30;
	[tilespmem:v2+s18+$0x2F80] =	vst.idx.msk $0xffff, v53;
	v52 =	vld.idx.msk [tilespmem:v63+s3+$0x0], $0xffff  }
0x8e: {  	v29 =	vshll.u32 v29, $0x3;
	[tilespmem:v3+s18+$0x2F80] =	vst.idx.msk $0xffff, v54;
	v54 =	vld.idx.msk [tilespmem:v48+s3+$0x0], $0xffff  }
0x8f: {  	v53 =	vor.u32 $0x2, v30;
	v31 =	vld.idx.msk [tilespmem:v31+s3+$0x0], $0xffff;
	[tilespmem:v4+s18+$0x2F80] =	vst.idx.msk $0xffff, v55  }
0x90: {  	v56 =	vor.u32 $0x4, v30;
	[tilespmem:v5+s18+$0x2F80] =	vst.idx.msk $0xffff, v57;
	v57 =	vld.idx.msk [tilespmem:v30+s3+$0x0], $0xffff  }
0x91: {  	v47 =	vor.u32 $0x3, v29;
	[tilespmem:v0+s18+$0x2C00] =	vst.idx.msk $0xffff, v62;
	v36 =	vld.idx.msk [tilespmem:v51+s3+$0x0], $0xffff  }
0x92: {  	v62 =	vor.u32 $0x1, v29;
	[tilespmem:v1+s18+$0x2C00] =	vst.idx.msk $0xffff, v39;
	v63 =	vld.idx.msk [tilespmem:v58+s3+$0x0], $0xffff  }
0x93: {  	v55 =	vor.u32 $0x3, v30;
	[tilespmem:v2+s18+$0x2C00] =	vst.idx.msk $0xffff, v49;
	v49 =	vld.idx.msk [tilespmem:v29+s3+$0x0], $0xffff  }
0x94: {  	v45 =	vor.u32 $0x2, v29;
	[tilespmem:v6+s18+$0x2F80] =	vst.idx.msk $0xffff, v59;
	v60 =	vld.idx.msk [tilespmem:v53+s3+$0x0], $0xffff  }
0x95: {  	v59 =	vor.u32 $0x6, v30;
	[tilespmem:v7+s18+$0x2F80] =	vst.idx.msk $0xffff, v32;
	v32 =	vld.idx.msk [tilespmem:v56+s3+$0x0], $0xffff  }
0x96: {  	v30 =	vor.u32 $0x7, v30;
	[tilespmem:v3+s18+$0x2C00] =	vst.idx.msk $0xffff, v50;
	v53 =	vld.idx.msk [tilespmem:v47+s3+$0x0], $0xffff  }
0x97: {  	v48 =	vor.u32 $0x4, v29;
	[tilespmem:v4+s18+$0x2C00] =	vst.idx.msk $0xffff, v33;
	v33 =	vld.idx.msk [tilespmem:v62+s3+$0x0], $0xffff  }
0x98: {  	v50 =	vor.u32 $0x5, v29;
	v61 =	vld.idx.msk [tilespmem:v55+s3+$0x0], $0xffff  }
0x99: {  	v51 =	vor.u32 $0x6, v29;
	[tilespmem:v5+s18+$0x2C00] =	vst.idx.msk $0xffff, v52;
	v52 =	vld.idx.msk [tilespmem:v45+s3+$0x0], $0xffff  }
0x9a: {  	v29 =	vor.u32 $0x7, v29;
	v46 =	vld.idx.msk [tilespmem:v59+s3+$0x0], $0xffff  }
0x9b: {  	[tilespmem:v6+s18+$0x2C00] =	vst.idx.msk $0xffff, v54;
	v30 =	vld.idx.msk [tilespmem:v30+s3+$0x0], $0xffff  }
0x9c: {  	v28 =	vshll.u32 v28, $0x3;
	[tilespmem:v7+s18+$0x2C00] =	vst.idx.msk $0xffff, v31;
	v31 =	vld.idx.msk [tilespmem:v48+s3+$0x0], $0xffff  }
0x9d: {  	s25 =	sor.u32 $0x1F, s24;
	v56 =	vor.u32 $0x2, v28;
	[tilespmem:v0+s18+$0x3000] =	vst.idx.msk $0xffff, v57;
	v55 =	vld.idx.msk [tilespmem:v50+s3+$0x0], $0xffff  }
0x9e: {  	v27 =	vshll.u32 v27, $0x3;
	s17 =	sshll.u32 s25, $0x4;
	[tilespmem:v1+s18+$0x3000] =	vst.idx.msk $0xffff, v36;
	v36 =	vld.idx.msk [tilespmem:v51+s3+$0x0], $0xffff  }
0x9f: {  	s17 =	sand.u32 $0x3FFFFFF0, s17;
	v54 =	vor.u32 $0x1, v28;
	v29 =	vld.idx.msk [tilespmem:v29+s3+$0x0], $0xffff;
	[tilespmem:v0+s18+$0x2C80] =	vst.idx.msk $0xffff, v49  }
0xa0: {  	v25 =	vshll.u32 v25, $0x3;
	v8 =	vld [tilespmem:s17+$0x100];
	v47 =	vor.u32 $0x3, v27;
	[tilespmem:v2+s18+$0x3000] =	vst.idx.msk $0xffff, v60  }
0xa1: {  	v41 =	vor.u32 $0x2, v25;
	v59 =	vld.idx.msk [tilespmem:v28+s3+$0x0], $0xffff;
	[tilespmem:v1+s18+$0x2C80] =	vst.idx.msk $0xffff, v33  }
0xa2: {  	v57 =	vor.u32 $0x3, v28;
	v62 =	vld.idx.msk [tilespmem:v56+s3+$0x0], $0xffff;
	[tilespmem:v3+s18+$0x3000] =	vst.idx.msk $0xffff, v61  }
0xa3: {  	v44 =	vor.u32 $0x1, v27;
	v49 =	vld.idx.msk [tilespmem:v27+s3+$0x0], $0xffff;
	[tilespmem:v2+s18+$0x2C80] =	vst.idx.msk $0xffff, v52  }
0xa4: {  	[tilespmem:v4+s18+$0x3000] =	vst.idx.msk $0xffff, v32;
	v32 =	vld.idx.msk [tilespmem:v54+s3+$0x0], $0xffff  }
0xa5: {  	v50 =	vor.u32 $0x5, v27;
	[tilespmem:v3+s18+$0x2C80] =	vst.idx.msk $0xffff, v53;
	v53 =	vld.idx.msk [tilespmem:v47+s3+$0x0], $0xffff  }
0xa6: {  	v58 =	vor.u32 $0x4, v28;
	v47 =	vld.idx.msk [tilespmem:v41+s3+$0x0], $0xffff  }
0xa7: {  	v60 =	vor.u32 $0x5, v28;
	[tilespmem:v5+s18+$0x3000] =	vst.idx.msk $0xffff, v63;
	v63 =	vld.idx.msk [tilespmem:v57+s3+$0x0], $0xffff  }
0xa8: {  	v61 =	vor.u32 $0x6, v28;
	[tilespmem:v4+s18+$0x2C80] =	vst.idx.msk $0xffff, v31;
	v31 =	vld.idx.msk [tilespmem:v44+s3+$0x0], $0xffff  }
0xa9: {  	v28 =	vor.u32 $0x7, v28;
	v44 =	vld.idx.msk [tilespmem:v25+s3+$0x0], $0xffff;
	[tilespmem:v6+s18+$0x3000] =	vst.idx.msk $0xffff, v46  }
0xaa: {  	v48 =	vor.u32 $0x4, v27;
	[tilespmem:v5+s18+$0x2C80] =	vst.idx.msk $0xffff, v55;
	v55 =	vld.idx.msk [tilespmem:v50+s3+$0x0], $0xffff  }
0xab: {  	v26 =	vshll.u32 v26, $0x3;
	[tilespmem:v7+s18+$0x3000] =	vst.idx.msk $0xffff, v30;
	v30 =	vld.idx.msk [tilespmem:v58+s3+$0x0], $0xffff  }
0xac: {  	v51 =	vor.u32 $0x6, v27;
	v45 =	vld.idx.msk [tilespmem:v60+s3+$0x0], $0xffff  }
0xad: {  	v56 =	vor.u32 $0x2, v26;
	v33 =	vld.idx.msk [tilespmem:v61+s3+$0x0], $0xffff  }
0xae: {  	v46 =	vor.u32 $0x2, v27;
	[tilespmem:v6+s18+$0x2C80] =	vst.idx.msk $0xffff, v36;
	v28 =	vld.idx.msk [tilespmem:v28+s3+$0x0], $0xffff  }
0xaf: {  	v27 =	vor.u32 $0x7, v27;
	[tilespmem:v7+s18+$0x2C80] =	vst.idx.msk $0xffff, v29;
	v29 =	vld.idx.msk [tilespmem:v48+s3+$0x0], $0xffff  }
0xb0: {  	v54 =	vor.u32 $0x1, v26;
	[tilespmem:v0+s18+$0x3080] =	vst.idx.msk $0xffff, v59;
	v59 =	vld.idx.msk [tilespmem:v26+s3+$0x0], $0xffff  }
0xb1: {  	v60 =	vor.u32 $0x5, v26;
	[tilespmem:v1+s18+$0x3080] =	vst.idx.msk $0xffff, v32;
	v32 =	vld.idx.msk [tilespmem:v51+s3+$0x0], $0xffff  }
0xb2: {  	v61 =	vor.u32 $0x6, v26;
	[tilespmem:v2+s18+$0x3080] =	vst.idx.msk $0xffff, v62;
	v62 =	vld.idx.msk [tilespmem:v56+s3+$0x0], $0xffff  }
0xb3: {  	v57 =	vor.u32 $0x3, v26;
	v58 =	vor.u32 $0x4, v26;
	v26 =	vor.u32 $0x7, v26;
	v52 =	vld.idx.msk [tilespmem:v46+s3+$0x0], $0xffff;
	[tilespmem:v3+s18+$0x3080] =	vst.idx.msk $0xffff, v63  }
0xb4: {  	v27 =	vld.idx.msk [tilespmem:v27+s3+$0x0], $0xffff;
	[tilespmem:v0+s18+$0x2D00] =	vst.idx.msk $0xffff, v49  }
0xb5: {  	v24 =	vshll.u32 v24, $0x3;
	[tilespmem:v4+s18+$0x3080] =	vst.idx.msk $0xffff, v30;
	v30 =	vld.idx.msk [tilespmem:v54+s3+$0x0], $0xffff  }
0xb6: {  	v50 =	vor.u32 $0x2, v24;
	[tilespmem:v1+s18+$0x2D00] =	vst.idx.msk $0xffff, v31;
	v40 =	vld.idx.msk [tilespmem:v60+s3+$0x0], $0xffff  }
0xb7: {  	v46 =	vor.u32 $0x6, v25;
	[tilespmem:v5+s18+$0x3080] =	vst.idx.msk $0xffff, v45;
	v31 =	vld.idx.msk [tilespmem:v61+s3+$0x0], $0xffff  }
0xb8: {  	v26 =	vld.idx.msk [tilespmem:v26+s3+$0x0], $0xffff;
	[tilespmem:v6+s18+$0x3080] =	vst.idx.msk $0xffff, v33  }
0xb9: {  	v54 =	vor.u32 $0x5, v24;
	v33 =	vld.idx.msk [tilespmem:v57+s3+$0x0], $0xffff;
	[tilespmem:v7+s18+$0x3080] =	vst.idx.msk $0xffff, v28  }
0xba: {  	v63 =	vor.u32 $0x1, v25;
	v28 =	vld.idx.msk [tilespmem:v58+s3+$0x0], $0xffff;
	[tilespmem:v0+s18+$0x3100] =	vst.idx.msk $0xffff, v59  }
0xbb: {  	v56 =	vld.idx.msk [tilespmem:v50+s3+$0x0], $0xffff;
	v45 =	vor.u32 $0x5, v25;
	[tilespmem:v2+s18+$0x2D00] =	vst.idx.msk $0xffff, v52  }
0xbc: {  	v43 =	vor.u32 $0x4, v25;
	v42 =	vor.u32 $0x3, v25;
	v25 =	vor.u32 $0x7, v25;
	[tilespmem:v1+s18+$0x3100] =	vst.idx.msk $0xffff, v30;
	v30 =	vld.idx.msk [tilespmem:v46+s3+$0x0], $0xffff  }
0xbd: {  	v23 =	vshll.u32 v23, $0x3;
	[tilespmem:v3+s18+$0x2D00] =	vst.idx.msk $0xffff, v53;
	v53 =	vld.idx.msk [tilespmem:v24+s3+$0x0], $0xffff  }
0xbe: {  	v58 =	vld.idx.msk [tilespmem:v54+s3+$0x0], $0xffff;
	[tilespmem:v4+s18+$0x2D00] =	vst.idx.msk $0xffff, v29  }
0xbf: {  	v48 =	vor.u32 $0x1, v24;
	v29 =	vld.idx.msk [tilespmem:v63+s3+$0x0], $0xffff;
	[tilespmem:v2+s18+$0x3100] =	vst.idx.msk $0xffff, v62  }
0xc0: {  	v59 =	vor.u32 $0x2, v23;
	v49 =	vld.idx.msk [tilespmem:v45+s3+$0x0], $0xffff;
	[tilespmem:v5+s18+$0x2D00] =	vst.idx.msk $0xffff, v55  }
0xc1: {  	v25 =	vld.idx.msk [tilespmem:v25+s3+$0x0], $0xffff;
	[tilespmem:v3+s18+$0x3100] =	vst.idx.msk $0xffff, v33  }
0xc2: {  	v22 =	vshll.u32 v22, $0x3;
	v62 =	vld.idx.msk [tilespmem:v23+s3+$0x0], $0xffff;
	[tilespmem:v6+s18+$0x2D00] =	vst.idx.msk $0xffff, v32  }
0xc3: {  	v51 =	vor.u32 $0x3, v24;
	v32 =	vld.idx.msk [tilespmem:v42+s3+$0x0], $0xffff;
	[tilespmem:v4+s18+$0x3100] =	vst.idx.msk $0xffff, v28  }
0xc4: {  	v52 =	vor.u32 $0x4, v24;
	v28 =	vld.idx.msk [tilespmem:v48+s3+$0x0], $0xffff;
	[tilespmem:v7+s18+$0x2D00] =	vst.idx.msk $0xffff, v27  }
0xc5: {  	v55 =	vor.u32 $0x6, v24;
	v33 =	vld.idx.msk [tilespmem:v59+s3+$0x0], $0xffff;
	[tilespmem:v5+s18+$0x3100] =	vst.idx.msk $0xffff, v40  }
0xc6: {  	v24 =	vor.u32 $0x7, v24;
	v27 =	vld.idx.msk [tilespmem:v43+s3+$0x0], $0xffff;
	[tilespmem:v0+s18+$0x2D80] =	vst.idx.msk $0xffff, v44  }
0xc7: {  	v38 =	vor.u32 $0x6, v23;
	v60 =	vor.u32 $0x3, v23;
	v63 =	vor.u32 $0x5, v23;
	v44 =	vld.idx.msk [tilespmem:v22+s3+$0x0], $0xffff;
	[tilespmem:v6+s18+$0x3100] =	vst.idx.msk $0xffff, v31  }
0xc8: {  	v61 =	vor.u32 $0x4, v23;
	v57 =	vor.u32 $0x1, v23;
	v23 =	vor.u32 $0x7, v23;
	v31 =	vld.idx.msk [tilespmem:v51+s3+$0x0], $0xffff;
	[tilespmem:v7+s18+$0x3100] =	vst.idx.msk $0xffff, v26  }
0xc9: {  	v45 =	vor.u32 $0x5, v22;
	[tilespmem:v1+s18+$0x2D80] =	vst.idx.msk $0xffff, v29;
	v26 =	vld.idx.msk [tilespmem:v52+s3+$0x0], $0xffff  }
0xca: {  	v21 =	vshll.u32 v21, $0x3;
	[tilespmem:v2+s18+$0x2D80] =	vst.idx.msk $0xffff, v47;
	v29 =	vld.idx.msk [tilespmem:v55+s3+$0x0], $0xffff  }
0xcb: {  	v24 =	vld.idx.msk [tilespmem:v24+s3+$0x0], $0xffff;
	[tilespmem:v0+s18+$0x3180] =	vst.idx.msk $0xffff, v53  }
0xcc: {  	v41 =	vor.u32 $0x2, v22;
	v40 =	vld.idx.msk [tilespmem:v63+s3+$0x0], $0xffff;
	[tilespmem:v3+s18+$0x2D80] =	vst.idx.msk $0xffff, v32  }
0xcd: {  	v39 =	vor.u32 $0x1, v22;
	v46 =	vor.u32 $0x6, v22;
	v23 =	vld.idx.msk [tilespmem:v23+s3+$0x0], $0xffff;
	[tilespmem:v1+s18+$0x3180] =	vst.idx.msk $0xffff, v28  }
0xce: {  	v42 =	vor.u32 $0x3, v22;
	v43 =	vor.u32 $0x4, v22;
	v22 =	vor.u32 $0x7, v22;
	v48 =	vld.idx.msk [tilespmem:v45+s3+$0x0], $0xffff;
	[tilespmem:v4+s18+$0x2D80] =	vst.idx.msk $0xffff, v27  }
0xcf: {  	v52 =	vld.idx.msk [tilespmem:v21+s3+$0x0], $0xffff;
	[tilespmem:v2+s18+$0x3180] =	vst.idx.msk $0xffff, v56  }
0xd0: {  	v28 =	vld.idx.msk [tilespmem:v38+s3+$0x0], $0xffff;
	[tilespmem:v5+s18+$0x2D80] =	vst.idx.msk $0xffff, v49  }
0xd1: {  	v32 =	vld.idx.msk [tilespmem:v41+s3+$0x0], $0xffff;
	[tilespmem:v3+s18+$0x3180] =	vst.idx.msk $0xffff, v31  }
0xd2: {  	v20 =	vshll.u32 v20, $0x3;
	v27 =	vld.idx.msk [tilespmem:v57+s3+$0x0], $0xffff;
	[tilespmem:v6+s18+$0x2D80] =	vst.idx.msk $0xffff, v30  }
0xd3: {  	v22 =	vld.idx.msk [tilespmem:v22+s3+$0x0], $0xffff;
	[tilespmem:v4+s18+$0x3180] =	vst.idx.msk $0xffff, v26  }
0xd4: {  	s14 =	sshll.u32 s14, $0x7;
	v30 =	vld.idx.msk [tilespmem:v60+s3+$0x0], $0xffff;
	[tilespmem:v7+s18+$0x2D80] =	vst.idx.msk $0xffff, v25  }
0xd5: {  	s14 =	sand.u32 $0x3FFFFF80, s14;
	v26 =	vld.idx.msk [tilespmem:v39+s3+$0x0], $0xffff;
	[tilespmem:v5+s18+$0x3180] =	vst.idx.msk $0xffff, v58  }
0xd6: {  	v19 =	vshll.u32 v19, $0x3;
	v53 =	vor.u32 $0x5, v21;
	v25 =	vld.idx.msk [tilespmem:v61+s3+$0x0], $0xffff;
	[tilespmem:v0+s14+$0x2A00] =	vst.idx.msk $0xffff, v62  }
0xd7: {  	v41 =	vor.u32 $0x5, v19;
	v60 =	vld.idx.msk [tilespmem:v20+s3+$0x0], $0xffff;
	[tilespmem:v6+s18+$0x3180] =	vst.idx.msk $0xffff, v29  }
0xd8: {  	s2 =	sshll.u32 s2, $0x7;
	v50 =	vor.u32 $0x3, v21;
	v54 =	vor.u32 $0x6, v21;
	v49 =	vor.u32 $0x2, v21;
	v29 =	vld.idx.msk [tilespmem:v42+s3+$0x0], $0xffff;
	[tilespmem:v7+s18+$0x3180] =	vst.idx.msk $0xffff, v24  }
0xd9: {  	s2 =	sand.u32 $0xF800, s2;
	v51 =	vor.u32 $0x4, v21;
	v47 =	vor.u32 $0x1, v21;
	v21 =	vor.u32 $0x7, v21;
	[tilespmem:v1+s14+$0x2A00] =	vst.idx.msk $0xffff, v27;
	v24 =	vld.idx.msk [tilespmem:v43+s3+$0x0], $0xffff  }
0xda: {  	v27 =	vld.idx.msk [tilespmem:v46+s3+$0x0], $0xffff;
	[tilespmem:v0+s2+$0x2E00] =	vst.idx.msk $0xffff, v44  }
0xdb: {  	v57 =	vor.u32 $0x2, v20;
	v56 =	vld.idx.msk [tilespmem:v53+s3+$0x0], $0xffff;
	[tilespmem:v2+s14+$0x2A00] =	vst.idx.msk $0xffff, v33  }
0xdc: {  	v44 =	vld.idx.msk [tilespmem:v41+s3+$0x0], $0xffff;
	[tilespmem:v3+s14+$0x2A00] =	vst.idx.msk $0xffff, v30  }
0xdd: {  	v59 =	vor.u32 $0x4, v20;
	v55 =	vor.u32 $0x1, v20;
	v61 =	vor.u32 $0x5, v20;
	v31 =	vld.idx.msk [tilespmem:v49+s3+$0x0], $0xffff;
	[tilespmem:v1+s2+$0x2E00] =	vst.idx.msk $0xffff, v26  }
0xde: {  	v58 =	vor.u32 $0x3, v20;
	v62 =	vor.u32 $0x6, v20;
	v20 =	vor.u32 $0x7, v20;
	v21 =	vld.idx.msk [tilespmem:v21+s3+$0x0], $0xffff;
	[tilespmem:v4+s14+$0x2A00] =	vst.idx.msk $0xffff, v25  }
0xdf: {  	v16 =	vshll.u32 v16, $0x3;
	v26 =	vld.idx.msk [tilespmem:v54+s3+$0x0], $0xffff;
	[tilespmem:v2+s2+$0x2E00] =	vst.idx.msk $0xffff, v32  }
0xe0: {  	v30 =	vld.idx.msk [tilespmem:v57+s3+$0x0], $0xffff;
	[tilespmem:v5+s14+$0x2A00] =	vst.idx.msk $0xffff, v40  }
0xe1: {  	v25 =	vld.idx.msk [tilespmem:v47+s3+$0x0], $0xffff;
	[tilespmem:v3+s2+$0x2E00] =	vst.idx.msk $0xffff, v29  }
0xe2: {  	v36 =	vld.idx.msk [tilespmem:v61+s3+$0x0], $0xffff;
	[tilespmem:v6+s14+$0x2A00] =	vst.idx.msk $0xffff, v28  }
0xe3: {  	v20 =	vld.idx.msk [tilespmem:v20+s3+$0x0], $0xffff;
	[tilespmem:v4+s2+$0x2E00] =	vst.idx.msk $0xffff, v24  }
0xe4: {  	s18 =	sshll.u32 s20, $0x7;
	v32 =	vld.idx.msk [tilespmem:v16+s3+$0x0], $0xffff;
	[tilespmem:v7+s14+$0x2A00] =	vst.idx.msk $0xffff, v23  }
0xe5: {  	s20 =	sand.u32 $0xF800, s18;
	v28 =	vld.idx.msk [tilespmem:v50+s3+$0x0], $0xffff;
	[tilespmem:v5+s2+$0x2E00] =	vst.idx.msk $0xffff, v48  }
0xe6: {  	v23 =	vld.idx.msk [tilespmem:v51+s3+$0x0], $0xffff;
	[tilespmem:v0+s20+$0x2A80] =	vst.idx.msk $0xffff, v52  }
0xe7: {  	v37 =	vor.u32 $0x2, v19;
	v24 =	vld.idx.msk [tilespmem:v55+s3+$0x0], $0xffff;
	[tilespmem:v6+s2+$0x2E00] =	vst.idx.msk $0xffff, v27  }
0xe8: {  	s11 =	sshll.u32 s11, $0x7;
	v18 =	vshll.u32 v18, $0x3;
	v27 =	vld.idx.msk [tilespmem:v58+s3+$0x0], $0xffff;
	[tilespmem:v7+s2+$0x2E00] =	vst.idx.msk $0xffff, v22  }
0xe9: {  	v17 =	vshll.u32 v17, $0x3;
	v49 =	vor.u32 $0x5, v18;
	s14 =	sand.u32 $0xF800, s11;
	[tilespmem:v1+s20+$0x2A80] =	vst.idx.msk $0xffff, v25;
	v22 =	vld.idx.msk [tilespmem:v59+s3+$0x0], $0xffff  }
0xea: {  	v63 =	vor.u32 $0x1, v19;
	v38 =	vor.u32 $0x3, v19;
	v57 =	vor.u32 $0x5, v17;
	v25 =	vld.idx.msk [tilespmem:v62+s3+$0x0], $0xffff;
	[tilespmem:v0+s14+$0x2E80] =	vst.idx.msk $0xffff, v60  }
0xeb: {  	v39 =	vor.u32 $0x4, v19;
	v42 =	vor.u32 $0x6, v19;
	v40 =	vld.idx.msk [tilespmem:v19+s3+$0x0], $0xffff;
	v19 =	vor.u32 $0x7, v19;
	[tilespmem:v2+s20+$0x2A80] =	vst.idx.msk $0xffff, v31  }
0xec: {  	v29 =	vld.idx.msk [tilespmem:v37+s3+$0x0], $0xffff;
	[tilespmem:v3+s20+$0x2A80] =	vst.idx.msk $0xffff, v28  }
0xed: {  	v45 =	vor.u32 $0x2, v18;
	v48 =	vld.idx.msk [tilespmem:v18+s3+$0x0], $0xffff;
	[tilespmem:v1+s14+$0x2E80] =	vst.idx.msk $0xffff, v24  }
0xee: {  	v43 =	vor.u32 $0x1, v18;
	v46 =	vor.u32 $0x3, v18;
	v52 =	vld.idx.msk [tilespmem:v49+s3+$0x0], $0xffff;
	[tilespmem:v4+s20+$0x2A80] =	vst.idx.msk $0xffff, v23  }
0xef: {  	v47 =	vor.u32 $0x4, v18;
	v50 =	vor.u32 $0x6, v18;
	v18 =	vor.u32 $0x7, v18;
	v60 =	vld.idx.msk [tilespmem:v57+s3+$0x0], $0xffff;
	[tilespmem:v2+s14+$0x2E80] =	vst.idx.msk $0xffff, v30  }
0xf0: {  	v19 =	vld.idx.msk [tilespmem:v19+s3+$0x0], $0xffff;
	[tilespmem:v5+s20+$0x2A80] =	vst.idx.msk $0xffff, v56  }
0xf1: {  	v24 =	vld.idx.msk [tilespmem:v42+s3+$0x0], $0xffff;
	[tilespmem:v3+s14+$0x2E80] =	vst.idx.msk $0xffff, v27  }
0xf2: {  	v28 =	vld.idx.msk [tilespmem:v45+s3+$0x0], $0xffff;
	[tilespmem:v6+s20+$0x2A80] =	vst.idx.msk $0xffff, v26  }
0xf3: {  	v23 =	vld.idx.msk [tilespmem:v63+s3+$0x0], $0xffff;
	[tilespmem:v4+s14+$0x2E80] =	vst.idx.msk $0xffff, v22  }
0xf4: {  	s10 =	sshll.u32 s10, $0x7;
	v18 =	vld.idx.msk [tilespmem:v18+s3+$0x0], $0xffff;
	[tilespmem:v7+s20+$0x2A80] =	vst.idx.msk $0xffff, v21  }
0xf5: {  	s15 =	sand.u32 $0xF800, s10;
	v26 =	vld.idx.msk [tilespmem:v38+s3+$0x0], $0xffff;
	[tilespmem:v5+s14+$0x2E80] =	vst.idx.msk $0xffff, v36  }
0xf6: {  	v21 =	vld.idx.msk [tilespmem:v39+s3+$0x0], $0xffff;
	[tilespmem:v0+s15+$0x2B00] =	vst.idx.msk $0xffff, v40  }
0xf7: {  	v53 =	vor.u32 $0x2, v17;
	v22 =	vld.idx.msk [tilespmem:v43+s3+$0x0], $0xffff;
	[tilespmem:v6+s14+$0x2E80] =	vst.idx.msk $0xffff, v25  }
0xf8: {  	s6 =	sshll.u32 s6, $0x7;
	v34 =	vor.u32 $0x6, v16;
	v33 =	vor.u32 $0x5, v16;
	v25 =	vld.idx.msk [tilespmem:v46+s3+$0x0], $0xffff;
	[tilespmem:v7+s14+$0x2E80] =	vst.idx.msk $0xffff, v20  }
0xf9: {  	v15 =	vshll.u32 v15, $0x3;
	s17 =	sand.u32 $0xF800, s6;
	v61 =	vor.u32 $0x2, v16;
	v59 =	vor.u32 $0x1, v16;
	[tilespmem:v1+s15+$0x2B00] =	vst.idx.msk $0xffff, v23;
	v20 =	vld.idx.msk [tilespmem:v47+s3+$0x0], $0xffff  }
0xfa: {  	v62 =	vor.u32 $0x3, v16;
	v63 =	vor.u32 $0x4, v16;
	v16 =	vor.u32 $0x7, v16;
	v23 =	vld.idx.msk [tilespmem:v50+s3+$0x0], $0xffff;
	[tilespmem:v0+s17+$0x2F00] =	vst.idx.msk $0xffff, v48  }
0xfb: {  	v14 =	vshll.u32 v14, $0x3;
	v54 =	vor.u32 $0x3, v17;
	v55 =	vor.u32 $0x4, v17;
	v56 =	vld.idx.msk [tilespmem:v17+s3+$0x0], $0xffff;
	[tilespmem:v2+s15+$0x2B00] =	vst.idx.msk $0xffff, v29  }
0xfc: {  	v51 =	vor.u32 $0x1, v17;
	v58 =	vor.u32 $0x6, v17;
	v27 =	vld.idx.msk [tilespmem:v53+s3+$0x0], $0xffff;
	v17 =	vor.u32 $0x7, v17;
	[tilespmem:v3+s15+$0x2B00] =	vst.idx.msk $0xffff, v26  }
0xfd: {  	v36 =	vld.idx.msk [tilespmem:v33+s3+$0x0], $0xffff;
	[tilespmem:v1+s17+$0x2F00] =	vst.idx.msk $0xffff, v22  }
0xfe: {  	v40 =	vld.idx.msk [tilespmem:v15+s3+$0x0], $0xffff;
	[tilespmem:v4+s15+$0x2B00] =	vst.idx.msk $0xffff, v21  }
0xff: {  	v16 =	vld.idx.msk [tilespmem:v16+s3+$0x0], $0xffff;
	[tilespmem:v2+s17+$0x2F00] =	vst.idx.msk $0xffff, v28  }
0x100: {  	v48 =	vld.idx.msk [tilespmem:v14+s3+$0x0], $0xffff;
	[tilespmem:v5+s15+$0x2B00] =	vst.idx.msk $0xffff, v44  }
0x101: {  	v17 =	vld.idx.msk [tilespmem:v17+s3+$0x0], $0xffff;
	[tilespmem:v3+s17+$0x2F00] =	vst.idx.msk $0xffff, v25  }
0x102: {  	v22 =	vld.idx.msk [tilespmem:v58+s3+$0x0], $0xffff;
	[tilespmem:v6+s15+$0x2B00] =	vst.idx.msk $0xffff, v24  }
0x103: {  	v26 =	vld.idx.msk [tilespmem:v61+s3+$0x0], $0xffff;
	[tilespmem:v4+s17+$0x2F00] =	vst.idx.msk $0xffff, v20  }
0x104: {  	s5 =	sshll.u32 s5, $0x7;
	v21 =	vld.idx.msk [tilespmem:v51+s3+$0x0], $0xffff;
	[tilespmem:v7+s15+$0x2B00] =	vst.idx.msk $0xffff, v19  }
0x105: {  	v35 =	vor.u32 $0x1, v15;
	s18 =	sand.u32 $0xF800, s5;
	v24 =	vld.idx.msk [tilespmem:v54+s3+$0x0], $0xffff;
	[tilespmem:v5+s17+$0x2F00] =	vst.idx.msk $0xffff, v52  }
0x106: {  	v41 =	vor.u32 $0x5, v15;
	v37 =	vor.u32 $0x2, v15;
	v42 =	vor.u32 $0x6, v15;
	v19 =	vld.idx.msk [tilespmem:v55+s3+$0x0], $0xffff;
	[tilespmem:v0+s18+$0x2B80] =	vst.idx.msk $0xffff, v56  }
0x107: {  	v38 =	vor.u32 $0x3, v15;
	v39 =	vor.u32 $0x4, v15;
	v15 =	vor.u32 $0x7, v15;
	v20 =	vld.idx.msk [tilespmem:v59+s3+$0x0], $0xffff;
	[tilespmem:v6+s17+$0x2F00] =	vst.idx.msk $0xffff, v23  }
0x108: {  	v49 =	vor.u32 $0x5, v14;
	s20 =	sshll.u32 s12, $0x7;
	v23 =	vld.idx.msk [tilespmem:v62+s3+$0x0], $0xffff;
	[tilespmem:v7+s17+$0x2F00] =	vst.idx.msk $0xffff, v18  }
0x109: {  	v45 =	vor.u32 $0x2, v14;
	v43 =	vor.u32 $0x1, v14;
	s5 =	sand.u32 $0xF800, s20;
	v46 =	vor.u32 $0x3, v14;
	[tilespmem:v1+s18+$0x2B80] =	vst.idx.msk $0xffff, v21;
	v18 =	vld.idx.msk [tilespmem:v63+s3+$0x0], $0xffff  }
0x10a: {  	v47 =	vor.u32 $0x4, v14;
	v50 =	vor.u32 $0x6, v14;
	v14 =	vor.u32 $0x7, v14;
	v21 =	vld.idx.msk [tilespmem:v34+s3+$0x0], $0xffff;
	[tilespmem:v0+s5+$0x2F80] =	vst.idx.msk $0xffff, v32  }
0x10b: {  	[tilespmem:v2+s18+$0x2B80] =	vst.idx.msk $0xffff, v27  }
0x10c: {  	v13 =	vshll.u32 v13, $0x3;
	v15 =	vld.idx.msk [tilespmem:v15+s3+$0x0], $0xffff;
	[tilespmem:v3+s18+$0x2B80] =	vst.idx.msk $0xffff, v24  }
0x10d: {  	v25 =	vld.idx.msk [tilespmem:v37+s3+$0x0], $0xffff;
	[tilespmem:v1+s5+$0x2F80] =	vst.idx.msk $0xffff, v20  }
0x10e: {  	v44 =	vld.idx.msk [tilespmem:v41+s3+$0x0], $0xffff;
	[tilespmem:v4+s18+$0x2B80] =	vst.idx.msk $0xffff, v19  }
0x10f: {  	v14 =	vld.idx.msk [tilespmem:v14+s3+$0x0], $0xffff;
	[tilespmem:v2+s5+$0x2F80] =	vst.idx.msk $0xffff, v26  }
0x110: {  	v52 =	vld.idx.msk [tilespmem:v49+s3+$0x0], $0xffff;
	[tilespmem:v5+s18+$0x2B80] =	vst.idx.msk $0xffff, v60  }
0x111: {  	v56 =	vld.idx.msk [tilespmem:v13+s3+$0x0], $0xffff;
	[tilespmem:v3+s5+$0x2F80] =	vst.idx.msk $0xffff, v23  }
0x112: {  	v20 =	vld.idx.msk [tilespmem:v42+s3+$0x0], $0xffff;
	[tilespmem:v6+s18+$0x2B80] =	vst.idx.msk $0xffff, v22  }
0x113: {  	v24 =	vld.idx.msk [tilespmem:v45+s3+$0x0], $0xffff;
	[tilespmem:v4+s5+$0x2F80] =	vst.idx.msk $0xffff, v18  }
0x114: {  	s0 =	sshll.u32 s0, $0x7;
	v19 =	vld.idx.msk [tilespmem:v35+s3+$0x0], $0xffff;
	[tilespmem:v7+s18+$0x2B80] =	vst.idx.msk $0xffff, v17  }
0x115: {  	s0 =	sand.u32 $0xF800, s0;
	v22 =	vld.idx.msk [tilespmem:v38+s3+$0x0], $0xffff;
	[tilespmem:v5+s5+$0x2F80] =	vst.idx.msk $0xffff, v36  }
0x116: {  	v12 =	vshll.u32 v12, $0x3;
	v57 =	vor.u32 $0x5, v13;
	v53 =	vor.u32 $0x2, v13;
	v17 =	vld.idx.msk [tilespmem:v39+s3+$0x0], $0xffff;
	[tilespmem:v0+s0+$0x2C00] =	vst.idx.msk $0xffff, v40  }
0x117: {  	v29 =	vor.u32 $0x5, v12;
	v58 =	vor.u32 $0x6, v13;
	v51 =	vor.u32 $0x1, v13;
	v18 =	vld.idx.msk [tilespmem:v43+s3+$0x0], $0xffff;
	[tilespmem:v6+s5+$0x2F80] =	vst.idx.msk $0xffff, v21  }
0x118: {  	s1 =	sshll.u32 s1, $0x7;
	v54 =	vor.u32 $0x3, v13;
	v55 =	vor.u32 $0x4, v13;
	v13 =	vor.u32 $0x7, v13;
	v21 =	vld.idx.msk [tilespmem:v46+s3+$0x0], $0xffff;
	[tilespmem:v7+s5+$0x2F80] =	vst.idx.msk $0xffff, v16  }
0x119: {  	s6 =	sand.u32 $0xFC00, s1;
	[tilespmem:v1+s0+$0x2C00] =	vst.idx.msk $0xffff, v19;
	v16 =	vld.idx.msk [tilespmem:v47+s3+$0x0], $0xffff  }
0x11a: {  	v30 =	vor.u32 $0x6, v12;
	v61 =	vor.u32 $0x2, v12;
	v59 =	vor.u32 $0x1, v12;
	v19 =	vld.idx.msk [tilespmem:v50+s3+$0x0], $0xffff;
	[tilespmem:v0+s6+$0x2C00] =	vst.idx.msk $0xffff, v48  }
0x11b: {  	v28 =	vld.idx.msk [tilespmem:v12+s3+$0x0], $0xffff;
	v62 =	vor.u32 $0x3, v12;
	v63 =	vor.u32 $0x4, v12;
	v12 =	vor.u32 $0x7, v12;
	[tilespmem:v2+s0+$0x2C00] =	vst.idx.msk $0xffff, v25  }
0x11c: {  	v11 =	vshll.u32 v11, $0x3;
	v32 =	vld.idx.msk [tilespmem:v29+s3+$0x0], $0xffff;
	[tilespmem:v3+s0+$0x2C00] =	vst.idx.msk $0xffff, v22  }
0x11d: {  	v13 =	vld.idx.msk [tilespmem:v13+s3+$0x0], $0xffff;
	[tilespmem:v1+s6+$0x2C00] =	vst.idx.msk $0xffff, v18  }
0x11e: {  	v23 =	vld.idx.msk [tilespmem:v53+s3+$0x0], $0xffff;
	[tilespmem:v4+s0+$0x2C00] =	vst.idx.msk $0xffff, v17  }
0x11f: {  	v60 =	vld.idx.msk [tilespmem:v57+s3+$0x0], $0xffff;
	[tilespmem:v2+s6+$0x2C00] =	vst.idx.msk $0xffff, v24  }
0x120: {  	v12 =	vld.idx.msk [tilespmem:v12+s3+$0x0], $0xffff;
	[tilespmem:v5+s0+$0x2C00] =	vst.idx.msk $0xffff, v44  }
0x121: {  	v36 =	vld.idx.msk [tilespmem:v11+s3+$0x0], $0xffff;
	[tilespmem:v3+s6+$0x2C00] =	vst.idx.msk $0xffff, v21  }
0x122: {  	v18 =	vld.idx.msk [tilespmem:v58+s3+$0x0], $0xffff;
	[tilespmem:v6+s0+$0x2C00] =	vst.idx.msk $0xffff, v20  }
0x123: {  	v22 =	vld.idx.msk [tilespmem:v61+s3+$0x0], $0xffff;
	[tilespmem:v4+s6+$0x2C00] =	vst.idx.msk $0xffff, v16  }
0x124: {  	s10 =	sshll.u32 s31, $0x7;
	v17 =	vld.idx.msk [tilespmem:v51+s3+$0x0], $0xffff;
	[tilespmem:v7+s0+$0x2C00] =	vst.idx.msk $0xffff, v15  }
0x125: {  	s11 =	sand.u32 $0xF800, s10;
	v20 =	vld.idx.msk [tilespmem:v54+s3+$0x0], $0xffff;
	[tilespmem:v5+s6+$0x2C00] =	vst.idx.msk $0xffff, v52  }
0x126: {  	v37 =	vor.u32 $0x5, v11;
	v15 =	vld.idx.msk [tilespmem:v55+s3+$0x0], $0xffff;
	[tilespmem:v0+s11+$0x2C80] =	vst.idx.msk $0xffff, v56  }
0x127: {  	v10 =	vshll.u32 v10, $0x3;
	v31 =	vor.u32 $0x1, v11;
	v16 =	vld.idx.msk [tilespmem:v59+s3+$0x0], $0xffff;
	[tilespmem:v6+s6+$0x2C00] =	vst.idx.msk $0xffff, v19  }
0x128: {  	v33 =	vor.u32 $0x2, v11;
	s12 =	sshll.u32 s30, $0x7;
	v34 =	vor.u32 $0x3, v11;
	v45 =	vor.u32 $0x5, v10;
	v19 =	vld.idx.msk [tilespmem:v62+s3+$0x0], $0xffff;
	[tilespmem:v7+s6+$0x2C00] =	vst.idx.msk $0xffff, v14  }
0x129: {  	s14 =	sand.u32 $0xFC00, s12;
	v35 =	vor.u32 $0x4, v11;
	v38 =	vor.u32 $0x6, v11;
	v11 =	vor.u32 $0x7, v11;
	[tilespmem:v1+s11+$0x2C80] =	vst.idx.msk $0xffff, v17;
	v14 =	vld.idx.msk [tilespmem:v63+s3+$0x0], $0xffff  }
0x12a: {  	v9 =	vshll.u32 v9, $0x3;
	v17 =	vld.idx.msk [tilespmem:v30+s3+$0x0], $0xffff;
	[tilespmem:v0+s14+$0x2C80] =	vst.idx.msk $0xffff, v28  }
0x12b: {  	v41 =	vor.u32 $0x2, v10;
	v42 =	vor.u32 $0x3, v10;
	v43 =	vor.u32 $0x4, v10;
	v40 =	vld.idx.msk [tilespmem:v37+s3+$0x0], $0xffff;
	[tilespmem:v2+s11+$0x2C80] =	vst.idx.msk $0xffff, v23  }
0x12c: {  	v39 =	vor.u32 $0x1, v10;
	v46 =	vor.u32 $0x6, v10;
	v44 =	vld.idx.msk [tilespmem:v10+s3+$0x0], $0xffff;
	v10 =	vor.u32 $0x7, v10;
	[tilespmem:v3+s11+$0x2C80] =	vst.idx.msk $0xffff, v20  }
0x12d: {  	v48 =	vld.idx.msk [tilespmem:v45+s3+$0x0], $0xffff;
	[tilespmem:v1+s14+$0x2C80] =	vst.idx.msk $0xffff, v16  }
0x12e: {  	v11 =	vld.idx.msk [tilespmem:v11+s3+$0x0], $0xffff;
	[tilespmem:v4+s11+$0x2C80] =	vst.idx.msk $0xffff, v15  }
0x12f: {  	v21 =	vld.idx.msk [tilespmem:v33+s3+$0x0], $0xffff;
	[tilespmem:v2+s14+$0x2C80] =	vst.idx.msk $0xffff, v22  }
0x130: {  	v52 =	vld.idx.msk [tilespmem:v9+s3+$0x0], $0xffff;
	[tilespmem:v5+s11+$0x2C80] =	vst.idx.msk $0xffff, v60  }
0x131: {  	v10 =	vld.idx.msk [tilespmem:v10+s3+$0x0], $0xffff;
	[tilespmem:v3+s14+$0x2C80] =	vst.idx.msk $0xffff, v19  }
0x132: {  	v16 =	vld.idx.msk [tilespmem:v38+s3+$0x0], $0xffff;
	[tilespmem:v6+s11+$0x2C80] =	vst.idx.msk $0xffff, v18  }
0x133: {  	v20 =	vld.idx.msk [tilespmem:v41+s3+$0x0], $0xffff;
	[tilespmem:v4+s14+$0x2C80] =	vst.idx.msk $0xffff, v14  }
0x134: {  	s15 =	sshll.u32 s29, $0x7;
	v15 =	vld.idx.msk [tilespmem:v31+s3+$0x0], $0xffff;
	[tilespmem:v7+s11+$0x2C80] =	vst.idx.msk $0xffff, v13  }
0x135: {  	s17 =	sand.u32 $0xF800, s15;
	v18 =	vld.idx.msk [tilespmem:v34+s3+$0x0], $0xffff;
	[tilespmem:v5+s14+$0x2C80] =	vst.idx.msk $0xffff, v32  }
0x136: {  	v13 =	vld.idx.msk [tilespmem:v35+s3+$0x0], $0xffff;
	[tilespmem:v0+s17+$0x2D00] =	vst.idx.msk $0xffff, v36  }
0x137: {  	v8 =	vshll.u32 v8, $0x3;
	v14 =	vld.idx.msk [tilespmem:v39+s3+$0x0], $0xffff;
	[tilespmem:v6+s14+$0x2C80] =	vst.idx.msk $0xffff, v17  }
0x138: {  	v49 =	vor.u32 $0x2, v9;
	v53 =	vor.u32 $0x5, v9;
	s18 =	sshll.u32 s28, $0x7;
	v17 =	vld.idx.msk [tilespmem:v42+s3+$0x0], $0xffff;
	[tilespmem:v7+s14+$0x2C80] =	vst.idx.msk $0xffff, v12  }
0x139: {  	s20 =	sand.u32 $0xFC00, s18;
	v47 =	vor.u32 $0x1, v9;
	v50 =	vor.u32 $0x3, v9;
	v61 =	vor.u32 $0x5, v8;
	[tilespmem:v1+s17+$0x2D00] =	vst.idx.msk $0xffff, v15;
	v12 =	vld.idx.msk [tilespmem:v43+s3+$0x0], $0xffff  }
0x13a: {  	v51 =	vor.u32 $0x4, v9;
	v54 =	vor.u32 $0x6, v9;
	v9 =	vor.u32 $0x7, v9;
	v15 =	vld.idx.msk [tilespmem:v46+s3+$0x0], $0xffff;
	[tilespmem:v0+s20+$0x2D00] =	vst.idx.msk $0xffff, v44  }
0x13b: {  	v57 =	vor.u32 $0x2, v8;
	v58 =	vor.u32 $0x3, v8;
	v59 =	vor.u32 $0x4, v8;
	[tilespmem:v2+s17+$0x2D00] =	vst.idx.msk $0xffff, v21  }
0x13c: {  	v55 =	vor.u32 $0x1, v8;
	v62 =	vor.u32 $0x6, v8;
	v60 =	vld.idx.msk [tilespmem:v8+s3+$0x0], $0xffff;
	v8 =	vor.u32 $0x7, v8;
	[tilespmem:v3+s17+$0x2D00] =	vst.idx.msk $0xffff, v18  }
0x13d: {  	v56 =	vld.idx.msk [tilespmem:v53+s3+$0x0], $0xffff;
	[tilespmem:v1+s20+$0x2D00] =	vst.idx.msk $0xffff, v14  }
0x13e: {  	v63 =	vld.idx.msk [tilespmem:v61+s3+$0x0], $0xffff;
	[tilespmem:v4+s17+$0x2D00] =	vst.idx.msk $0xffff, v13  }
0x13f: {  	v9 =	vld.idx.msk [tilespmem:v9+s3+$0x0], $0xffff;
	[tilespmem:v2+s20+$0x2D00] =	vst.idx.msk $0xffff, v20  }
0x140: {  	v19 =	vld.idx.msk [tilespmem:v49+s3+$0x0], $0xffff;
	[tilespmem:v5+s17+$0x2D00] =	vst.idx.msk $0xffff, v40  }
0x141: {  	v8 =	vld.idx.msk [tilespmem:v8+s3+$0x0], $0xffff;
	[tilespmem:v3+s20+$0x2D00] =	vst.idx.msk $0xffff, v17  }
0x142: {  	v14 =	vld.idx.msk [tilespmem:v54+s3+$0x0], $0xffff;
	[tilespmem:v6+s17+$0x2D00] =	vst.idx.msk $0xffff, v16  }
0x143: {  	v18 =	vld.idx.msk [tilespmem:v57+s3+$0x0], $0xffff;
	[tilespmem:v4+s20+$0x2D00] =	vst.idx.msk $0xffff, v12  }
0x144: {  	s26 =	sshll.u32 s26, $0x7;
	v13 =	vld.idx.msk [tilespmem:v47+s3+$0x0], $0xffff;
	[tilespmem:v7+s17+$0x2D00] =	vst.idx.msk $0xffff, v11  }
0x145: {  	s28 =	sand.u32 $0xF800, s26;
	v16 =	vld.idx.msk [tilespmem:v50+s3+$0x0], $0xffff;
	[tilespmem:v5+s20+$0x2D00] =	vst.idx.msk $0xffff, v48  }
0x146: {  	v11 =	vld.idx.msk [tilespmem:v51+s3+$0x0], $0xffff;
	[tilespmem:v0+s28+$0x2D80] =	vst.idx.msk $0xffff, v52  }
0x147: {  	v12 =	vld.idx.msk [tilespmem:v55+s3+$0x0], $0xffff;
	[tilespmem:v6+s20+$0x2D00] =	vst.idx.msk $0xffff, v15  }
0x148: {  	s29 =	sshll.u32 s25, $0x7;
	v15 =	vld.idx.msk [tilespmem:v58+s3+$0x0], $0xffff;
	[tilespmem:v7+s20+$0x2D00] =	vst.idx.msk $0xffff, v10  }
0x149: {  	s30 =	sand.u32 $0x3FFFFF80, s29;
	[tilespmem:v1+s28+$0x2D80] =	vst.idx.msk $0xffff, v13;
	v10 =	vld.idx.msk [tilespmem:v59+s3+$0x0], $0xffff  }
0x14a: {  	v13 =	vld.idx.msk [tilespmem:v62+s3+$0x0], $0xffff;
	[tilespmem:v0+s30+$0x2A00] =	vst.idx.msk $0xffff, v60  }
0x14b: {  	[tilespmem:v2+s28+$0x2D80] =	vst.idx.msk $0xffff, v19  }
0x14c: {  	[tilespmem:v3+s28+$0x2D80] =	vst.idx.msk $0xffff, v16  }
0x14d: {  	[tilespmem:v1+s30+$0x2A00] =	vst.idx.msk $0xffff, v12  }
0x14e: {  	[tilespmem:v4+s28+$0x2D80] =	vst.idx.msk $0xffff, v11  }
0x14f: {  	[tilespmem:v2+s30+$0x2A00] =	vst.idx.msk $0xffff, v18  }
0x150: {  	[tilespmem:v5+s28+$0x2D80] =	vst.idx.msk $0xffff, v56  }
0x151: {  	[tilespmem:v3+s30+$0x2A00] =	vst.idx.msk $0xffff, v15  }
0x152: {  	p0 =	slt.u32 s24, $0x120;
	[tilespmem:v6+s28+$0x2D80] =	vst.idx.msk $0xffff, v14  }
.Ltmp0:
0x153: {  	[tilespmem:v4+s30+$0x2A00] =	vst.idx.msk $0xffff, v10;
	(pc) =	sbr.rel @p0 .LBB2_3-.Ltmp0, $4  }
0x154: {  	[tilespmem:v7+s28+$0x2D80] =	vst.idx.msk $0xffff, v9  }
0x155: {  	[tilespmem:v5+s30+$0x2A00] =	vst.idx.msk $0xffff, v63  }
0x156: {  	s31 =	sadd.s32 $0x20, s24;
	[tilespmem:v6+s30+$0x2A00] =	vst.idx.msk $0xffff, v13  }
0x157: {  	s24 =	smov.u32 s31;
	[tilespmem:v7+s30+$0x2A00] =	vst.idx.msk $0xffff, v8  }
0x158: {  	s0 =	sadd.s32 s23, s8;
	s1 =	simm.s32 $0x2A00;
	p0 =	seq.s32 s21, $0x13  }
0x159: {  	[hbm4b:s0+s3] =	stream.linear.scatter [tilespmem:s1], [sflag:$0x3], $0xA000, $0x38;
	[tilespmem:$0x16A00] =	vst v63  }
0x15a: {  	s0 =	sadd.s32 @!p0 s23, s9;
	p1 =	seq.s32 @!p0 s21, $0x0;
	_ =	swait.ge [sflag:s16], $0x1400  }
0x15b: {  	s1 =	simm.s32 @!p0 $0x0;
	s0 =	sshrl.u32 @!p0 s0, $0x3;
	[sflag:s16] =	ssyncset.done $0x0  }
0x15c: {  	s2 =	simm.s32 @!p0 $0x100;
	s0 =	sadd.s32 @!p0 s4, s0;
	[sflag:s16] =	ssyncadd.s32 $0xFFFFEC00  }
0x15d: {  	[tilespmem:s2], [sflag:$0x1] =	stream.linear.gather @!p0 [hbm4b:s0+s1], $0x1400, $0x38;
	[tilespmem:$0x16A00] =	vst v63  }
0x15e: {  	p0 =	por p0, !p1  }
0x15f: {  	_ =	swait.ge @p0 [sflag:s19], $0xA000  }
0x160: {  	[sflag:s19] =	ssyncset.done @p0 $0x0  }
0x161: {  	s23 =	simm.s32 $0x0;
	[sflag:s19] =	ssyncadd.s32 @p0 $0xFFFF6000  }
.LBB2_5:
0x162: {  	s0 =	sshll.u32 s23, $0x4  }
0x163: {  	s0 =	sand.u32 $0x3FFFFFF0, s0  }
0x164: {  	v8 =	vld [tilespmem:s0+$0x1580]  }
0x165: {  	v20 =	vld [tilespmem:s0+$0x15A0];
	_ =	sdelay $0x3  }
0x166: {  	v8 =	vshll.u32 v8, $0x3  }
0x167: {  	v49 =	vshll.u32 v20, $0x3  }
0x168: {  	v9 =	vor.u32 $0x1, v8  }
0x169: {  	v10 =	vor.u32 $0x2, v8  }
0x16a: {  	v13 =	vld [tilespmem:s0+$0x1590];
	v11 =	vor.u32 $0x3, v8  }
0x16b: {  	v12 =	vor.u32 $0x4, v8;
	v14 =	vld.idx.msk [tilespmem:v8+s3+$0x0], $0xffff  }
0x16c: {  	v15 =	vor.u32 $0x5, v8;
	v56 =	vld.idx.msk [tilespmem:v49+s3+$0x0], $0xffff  }
0x16d: {  	v16 =	vor.u32 $0x6, v8;
	v9 =	vld.idx.msk [tilespmem:v9+s3+$0x0], $0xffff  }
0x16e: {  	v51 =	vor.u32 $0x1, v49;
	v10 =	vld.idx.msk [tilespmem:v10+s3+$0x0], $0xffff  }
0x16f: {  	v20 =	vor.u32 $0x2, v49;
	v11 =	vld.idx.msk [tilespmem:v11+s3+$0x0], $0xffff  }
0x170: {  	v54 =	vor.u32 $0x3, v49;
	v12 =	vld.idx.msk [tilespmem:v12+s3+$0x0], $0xffff  }
0x171: {  	v55 =	vor.u32 $0x4, v49;
	v15 =	vld.idx.msk [tilespmem:v15+s3+$0x0], $0xffff  }
0x172: {  	v57 =	vor.u32 $0x5, v49;
	v16 =	vld.idx.msk [tilespmem:v16+s3+$0x0], $0xffff  }
0x173: {  	v59 =	vor.u32 $0x6, v49;
	v58 =	vld.idx.msk [tilespmem:v51+s3+$0x0], $0xffff  }
0x174: {  	v8 =	vor.u32 $0x7, v8;
	v34 =	vld.idx.msk [tilespmem:v20+s3+$0x0], $0xffff  }
0x175: {  	v60 =	vor.u32 $0x7, v49;
	v35 =	vld.idx.msk [tilespmem:v54+s3+$0x0], $0xffff  }
0x176: {  	v13 =	vshll.u32 v13, $0x3;
	v36 =	vld.idx.msk [tilespmem:v55+s3+$0x0], $0xffff  }
0x177: {  	s1 =	sshll.u32 s23, $0x7;
	v17 =	vor.u32 $0x1, v13;
	v37 =	vld.idx.msk [tilespmem:v57+s3+$0x0], $0xffff  }
0x178: {  	s18 =	sand.u32 $0x3FFFFF80, s1;
	v18 =	vor.u32 $0x2, v13;
	v38 =	vld.idx.msk [tilespmem:v59+s3+$0x0], $0xffff  }
0x179: {  	v19 =	vor.u32 $0x3, v13;
	v8 =	vld.idx.msk [tilespmem:v8+s3+$0x0], $0xffff;
	[tilespmem:v0+s18+$0xCA00] =	vst.idx.msk $0xffff, v14  }
0x17a: {  	v21 =	vor.u32 $0x4, v13;
	v39 =	vld.idx.msk [tilespmem:v60+s3+$0x0], $0xffff;
	[tilespmem:v0+s18+$0xCA80] =	vst.idx.msk $0xffff, v56  }
0x17b: {  	v22 =	vor.u32 $0x5, v13;
	v44 =	vld.idx.msk [tilespmem:v13+s3+$0x0], $0xffff;
	[tilespmem:v1+s18+$0xCA00] =	vst.idx.msk $0xffff, v9  }
0x17c: {  	v46 =	vor.u32 $0x6, v13;
	v45 =	vld.idx.msk [tilespmem:v17+s3+$0x0], $0xffff;
	[tilespmem:v2+s18+$0xCA00] =	vst.idx.msk $0xffff, v10  }
0x17d: {  	v13 =	vor.u32 $0x7, v13;
	v47 =	vld.idx.msk [tilespmem:v18+s3+$0x0], $0xffff;
	[tilespmem:v3+s18+$0xCA00] =	vst.idx.msk $0xffff, v11  }
0x17e: {  	v48 =	vld.idx.msk [tilespmem:v19+s3+$0x0], $0xffff;
	[tilespmem:v4+s18+$0xCA00] =	vst.idx.msk $0xffff, v12  }
0x17f: {  	v50 =	vld.idx.msk [tilespmem:v21+s3+$0x0], $0xffff;
	[tilespmem:v5+s18+$0xCA00] =	vst.idx.msk $0xffff, v15  }
0x180: {  	v52 =	vld.idx.msk [tilespmem:v22+s3+$0x0], $0xffff;
	[tilespmem:v6+s18+$0xCA00] =	vst.idx.msk $0xffff, v16  }
0x181: {  	v53 =	vld.idx.msk [tilespmem:v46+s3+$0x0], $0xffff;
	[tilespmem:v7+s18+$0xCA00] =	vst.idx.msk $0xffff, v8  }
0x182: {  	v8 =	vld.idx.msk [tilespmem:v13+s3+$0x0], $0xffff;
	[tilespmem:v0+s18+$0xCE00] =	vst.idx.msk $0xffff, v44  }
0x183: {  	[tilespmem:v1+s18+$0xCE00] =	vst.idx.msk $0xffff, v45  }
0x184: {  	[tilespmem:v2+s18+$0xCE00] =	vst.idx.msk $0xffff, v47  }
0x185: {  	[tilespmem:v3+s18+$0xCE00] =	vst.idx.msk $0xffff, v48  }
0x186: {  	[tilespmem:v4+s18+$0xCE00] =	vst.idx.msk $0xffff, v50  }
0x187: {  	[tilespmem:v5+s18+$0xCE00] =	vst.idx.msk $0xffff, v52  }
0x188: {  	[tilespmem:v6+s18+$0xCE00] =	vst.idx.msk $0xffff, v53  }
0x189: {  	[tilespmem:v7+s18+$0xCE00] =	vst.idx.msk $0xffff, v8  }
0x18a: {  	[tilespmem:v1+s18+$0xCA80] =	vst.idx.msk $0xffff, v58  }
0x18b: {  	v8 =	vld [tilespmem:s0+$0x15B0]  }
0x18c: {  	v40 =	vld [tilespmem:s0+$0x15C0]  }
0x18d: {  	v41 =	vld [tilespmem:s0+$0x15D0]  }
0x18e: {  	v33 =	vld [tilespmem:s0+$0x15E0]  }
0x18f: {  	v32 =	vld [tilespmem:s0+$0x15F0]  }
0x190: {  	v31 =	vld [tilespmem:s0+$0x1600]  }
0x191: {  	v30 =	vld [tilespmem:s0+$0x1610]  }
0x192: {  	v29 =	vld [tilespmem:s0+$0x1620]  }
0x193: {  	v28 =	vld [tilespmem:s0+$0x1630]  }
0x194: {  	v27 =	vld [tilespmem:s0+$0x1640]  }
0x195: {  	s14 =	sor.u32 $0x10, s23;
	v26 =	vld [tilespmem:s0+$0x1650]  }
0x196: {  	s2 =	sor.u32 $0x11, s23;
	s24 =	sshll.u32 s14, $0x4;
	v25 =	vld [tilespmem:s0+$0x1660]  }
0x197: {  	s20 =	sor.u32 $0x12, s23;
	s26 =	sshll.u32 s2, $0x4;
	s25 =	sand.u32 $0x3FFFFFF0, s24;
	v24 =	vld [tilespmem:s0+$0x1670]  }
0x198: {  	s11 =	sor.u32 $0x13, s23;
	s29 =	sshll.u32 s20, $0x4;
	s28 =	sand.u32 $0x3FFFFFF0, s26;
	v23 =	vld [tilespmem:s25+$0x1580]  }
0x199: {  	s10 =	sor.u32 $0x14, s23;
	s31 =	sshll.u32 s11, $0x4;
	s30 =	sand.u32 $0x3FFFFFF0, s29;
	v22 =	vld [tilespmem:s28+$0x1580]  }
0x19a: {  	s6 =	sor.u32 $0x15, s23;
	s5 =	sshll.u32 s10, $0x4;
	s1 =	sand.u32 $0x3FFFFFF0, s31;
	v21 =	vld [tilespmem:s30+$0x1580]  }
0x19b: {  	s15 =	sshll.u32 s6, $0x4;
	s12 =	sand.u32 $0x3FFFFFF0, s5;
	s5 =	sor.u32 $0x16, s23;
	v20 =	vld [tilespmem:s1+$0x1580]  }
0x19c: {  	s17 =	sand.u32 $0x3FFFFFF0, s15;
	s24 =	sshll.u32 s5, $0x4;
	v19 =	vld [tilespmem:s12+$0x1580];
	s12 =	sor.u32 $0x17, s23  }
0x19d: {  	v18 =	vld [tilespmem:s17+$0x1580];
	s1 =	sand.u32 $0x3FFFFFF0, s24;
	s0 =	sor.u32 $0x18, s23;
	s15 =	sshll.u32 s12, $0x4;
	v42 =	vshll.u32 v8, $0x3  }
0x19e: {  	v17 =	vld [tilespmem:s1+$0x1580];
	s17 =	sshll.u32 s0, $0x4;
	s1 =	sor.u32 $0x19, s23;
	s15 =	sand.u32 $0x3FFFFFF0, s15;
	v40 =	vshll.u32 v40, $0x3  }
0x19f: {  	s25 =	sand.u32 $0x3FFFFFF0, s17;
	s26 =	sshll.u32 s1, $0x4;
	v16 =	vld [tilespmem:s15+$0x1580];
	v43 =	vor.u32 $0x1, v42  }
0x1a0: {  	v15 =	vld [tilespmem:s25+$0x1580];
	s28 =	sand.u32 $0x3FFFFFF0, s26;
	v44 =	vor.u32 $0x2, v42  }
0x1a1: {  	v14 =	vld [tilespmem:s28+$0x1580];
	v45 =	vor.u32 $0x3, v42  }
0x1a2: {  	v46 =	vor.u32 $0x4, v42;
	v47 =	vld.idx.msk [tilespmem:v42+s3+$0x0], $0xffff  }
0x1a3: {  	v48 =	vor.u32 $0x5, v42;
	v57 =	vld.idx.msk [tilespmem:v40+s3+$0x0], $0xffff  }
0x1a4: {  	v49 =	vor.u32 $0x6, v42;
	v43 =	vld.idx.msk [tilespmem:v43+s3+$0x0], $0xffff  }
0x1a5: {  	[tilespmem:v2+s18+$0xCA80] =	vst.idx.msk $0xffff, v34;
	v63 =	vor.u32 $0x1, v40;
	v61 =	vld.idx.msk [tilespmem:v44+s3+$0x0], $0xffff  }
0x1a6: {  	[tilespmem:v3+s18+$0xCA80] =	vst.idx.msk $0xffff, v35;
	v56 =	vor.u32 $0x4, v40;
	v62 =	vld.idx.msk [tilespmem:v45+s3+$0x0], $0xffff  }
0x1a7: {  	[tilespmem:v4+s18+$0xCA80] =	vst.idx.msk $0xffff, v36;
	v42 =	vor.u32 $0x7, v42;
	v36 =	vld.idx.msk [tilespmem:v46+s3+$0x0], $0xffff  }
0x1a8: {  	[tilespmem:v5+s18+$0xCA80] =	vst.idx.msk $0xffff, v37;
	v58 =	vor.u32 $0x5, v40;
	v37 =	vld.idx.msk [tilespmem:v48+s3+$0x0], $0xffff  }
0x1a9: {  	v52 =	vor.u32 $0x2, v40;
	v53 =	vld.idx.msk [tilespmem:v49+s3+$0x0], $0xffff  }
0x1aa: {  	v60 =	vor.u32 $0x6, v40;
	v59 =	vld.idx.msk [tilespmem:v63+s3+$0x0], $0xffff  }
0x1ab: {  	v54 =	vor.u32 $0x3, v40;
	v63 =	vld.idx.msk [tilespmem:v56+s3+$0x0], $0xffff  }
0x1ac: {  	v40 =	vor.u32 $0x7, v40;
	v55 =	vld.idx.msk [tilespmem:v42+s3+$0x0], $0xffff;
	[tilespmem:v0+s18+$0xCE80] =	vst.idx.msk $0xffff, v47  }
0x1ad: {  	v50 =	vld.idx.msk [tilespmem:v58+s3+$0x0], $0xffff;
	[tilespmem:v1+s18+$0xCE80] =	vst.idx.msk $0xffff, v43  }
0x1ae: {  	[tilespmem:v2+s18+$0xCE80] =	vst.idx.msk $0xffff, v61;
	v61 =	vld.idx.msk [tilespmem:v52+s3+$0x0], $0xffff  }
0x1af: {  	s30 =	sor.u32 $0x1A, s23;
	v52 =	vld.idx.msk [tilespmem:v60+s3+$0x0], $0xffff  }
0x1b0: {  	s29 =	sor.u32 $0x1B, s23;
	s31 =	sshll.u32 s30, $0x4;
	v41 =	vshll.u32 v41, $0x3;
	[tilespmem:v3+s18+$0xCE80] =	vst.idx.msk $0xffff, v62;
	v62 =	vld.idx.msk [tilespmem:v54+s3+$0x0], $0xffff  }
0x1b1: {  	s24 =	sshll.u32 s29, $0x4;
	s17 =	sand.u32 $0x3FFFFFF0, s31;
	s28 =	sor.u32 $0x1C, s23;
	v49 =	vor.u32 $0x1, v41;
	v54 =	vld.idx.msk [tilespmem:v40+s3+$0x0], $0xffff;
	[tilespmem:v0+s18+$0xCB00] =	vst.idx.msk $0xffff, v57  }
0x1b2: {  	v13 =	vld [tilespmem:s17+$0x1580];
	s25 =	sand.u32 $0x3FFFFFF0, s24;
	s31 =	sshll.u32 s28, $0x4;
	v58 =	vor.u32 $0x6, v41;
	[tilespmem:v4+s18+$0xCE80] =	vst.idx.msk $0xffff, v36  }
0x1b3: {  	v12 =	vld [tilespmem:s25+$0x1580];
	s24 =	sand.u32 $0x3FFFFFF0, s31;
	v51 =	vor.u32 $0x2, v41;
	[tilespmem:v1+s18+$0xCB00] =	vst.idx.msk $0xffff, v59  }
0x1b4: {  	v11 =	vld [tilespmem:s24+$0x1580];
	v57 =	vor.u32 $0x5, v41;
	[tilespmem:v5+s18+$0xCE80] =	vst.idx.msk $0xffff, v37  }
0x1b5: {  	v56 =	vld.idx.msk [tilespmem:v41+s3+$0x0], $0xffff;
	[tilespmem:v6+s18+$0xCE80] =	vst.idx.msk $0xffff, v53;
	v53 =	vor.u32 $0x3, v41  }
0x1b6: {  	v33 =	vshll.u32 v33, $0x3;
	v42 =	vld.idx.msk [tilespmem:v49+s3+$0x0], $0xffff;
	[tilespmem:v7+s18+$0xCE80] =	vst.idx.msk $0xffff, v55  }
0x1b7: {  	v49 =	vld.idx.msk [tilespmem:v58+s3+$0x0], $0xffff;
	v55 =	vor.u32 $0x4, v41;
	[tilespmem:v2+s18+$0xCB00] =	vst.idx.msk $0xffff, v61  }
0x1b8: {  	v59 =	vld.idx.msk [tilespmem:v51+s3+$0x0], $0xffff;
	v41 =	vor.u32 $0x7, v41;
	[tilespmem:v3+s18+$0xCB00] =	vst.idx.msk $0xffff, v62  }
0x1b9: {  	v48 =	vor.u32 $0x2, v33;
	[tilespmem:v4+s18+$0xCB00] =	vst.idx.msk $0xffff, v63;
	v63 =	vld.idx.msk [tilespmem:v57+s3+$0x0], $0xffff  }
0x1ba: {  	v62 =	vor.u32 $0x1, v33;
	v60 =	vld.idx.msk [tilespmem:v53+s3+$0x0], $0xffff  }
0x1bb: {  	[tilespmem:v5+s18+$0xCB00] =	vst.idx.msk $0xffff, v50;
	v50 =	vor.u32 $0x3, v33;
	v53 =	vld.idx.msk [tilespmem:v33+s3+$0x0], $0xffff  }
0x1bc: {  	[tilespmem:v6+s18+$0xCB00] =	vst.idx.msk $0xffff, v52;
	v52 =	vor.u32 $0x4, v33;
	v61 =	vld.idx.msk [tilespmem:v55+s3+$0x0], $0xffff  }
0x1bd: {  	[tilespmem:v7+s18+$0xCB00] =	vst.idx.msk $0xffff, v54;
	v51 =	vld.idx.msk [tilespmem:v41+s3+$0x0], $0xffff;
	v54 =	vor.u32 $0x5, v33  }
0x1be: {  	[tilespmem:v0+s18+$0xCF00] =	vst.idx.msk $0xffff, v56;
	v55 =	vor.u32 $0x6, v33;
	v56 =	vld.idx.msk [tilespmem:v48+s3+$0x0], $0xffff  }
0x1bf: {  	v33 =	vor.u32 $0x7, v33;
	v40 =	vld.idx.msk [tilespmem:v62+s3+$0x0], $0xffff  }
0x1c0: {  	[tilespmem:v1+s18+$0xCF00] =	vst.idx.msk $0xffff, v42;
	v57 =	vld.idx.msk [tilespmem:v50+s3+$0x0], $0xffff  }
0x1c1: {  	v32 =	vshll.u32 v32, $0x3;
	[tilespmem:v2+s18+$0xCF00] =	vst.idx.msk $0xffff, v59;
	v58 =	vld.idx.msk [tilespmem:v52+s3+$0x0], $0xffff  }
0x1c2: {  	s26 =	sor.u32 $0x1D, s23;
	v48 =	vor.u32 $0x4, v32;
	[tilespmem:v3+s18+$0xCF00] =	vst.idx.msk $0xffff, v60;
	v60 =	vld.idx.msk [tilespmem:v54+s3+$0x0], $0xffff  }
0x1c3: {  	s25 =	sor.u32 $0x1E, s23;
	s31 =	sshll.u32 s26, $0x4;
	[tilespmem:v4+s18+$0xCF00] =	vst.idx.msk $0xffff, v61;
	v62 =	vld.idx.msk [tilespmem:v55+s3+$0x0], $0xffff  }
0x1c4: {  	s17 =	sand.u32 $0x3FFFFFF0, s31;
	s31 =	sshll.u32 s25, $0x4;
	v59 =	vor.u32 $0x1, v32;
	v33 =	vld.idx.msk [tilespmem:v33+s3+$0x0], $0xffff;
	[tilespmem:v0+s18+$0xCB80] =	vst.idx.msk $0xffff, v53  }
0x1c5: {  	v10 =	vld [tilespmem:s17+$0x1580];
	s17 =	sand.u32 $0x3FFFFFF0, s31;
	v50 =	vor.u32 $0x5, v32;
	[tilespmem:v5+s18+$0xCF00] =	vst.idx.msk $0xffff, v63  }
0x1c6: {  	v9 =	vld [tilespmem:s17+$0x1580];
	v52 =	vor.u32 $0x6, v32;
	[tilespmem:v1+s18+$0xCB80] =	vst.idx.msk $0xffff, v40  }
0x1c7: {  	v61 =	vor.u32 $0x2, v32;
	v55 =	vld.idx.msk [tilespmem:v48+s3+$0x0], $0xffff;
	[tilespmem:v6+s18+$0xCF00] =	vst.idx.msk $0xffff, v49  }
0x1c8: {  	v63 =	vor.u32 $0x3, v32;
	v49 =	vld.idx.msk [tilespmem:v32+s3+$0x0], $0xffff;
	[tilespmem:v2+s18+$0xCB80] =	vst.idx.msk $0xffff, v56  }
0x1c9: {  	v31 =	vshll.u32 v31, $0x3;
	[tilespmem:v7+s18+$0xCF00] =	vst.idx.msk $0xffff, v51;
	v51 =	vld.idx.msk [tilespmem:v59+s3+$0x0], $0xffff  }
0x1ca: {  	v32 =	vor.u32 $0x7, v32;
	[tilespmem:v3+s18+$0xCB80] =	vst.idx.msk $0xffff, v57;
	v57 =	vld.idx.msk [tilespmem:v50+s3+$0x0], $0xffff  }
0x1cb: {  	v56 =	vor.u32 $0x1, v31;
	v59 =	vld.idx.msk [tilespmem:v52+s3+$0x0], $0xffff  }
0x1cc: {  	[tilespmem:v4+s18+$0xCB80] =	vst.idx.msk $0xffff, v58;
	v58 =	vor.u32 $0x2, v31;
	v53 =	vld.idx.msk [tilespmem:v61+s3+$0x0], $0xffff  }
0x1cd: {  	[tilespmem:v5+s18+$0xCB80] =	vst.idx.msk $0xffff, v60;
	v60 =	vor.u32 $0x3, v31;
	v54 =	vld.idx.msk [tilespmem:v63+s3+$0x0], $0xffff  }
0x1ce: {  	v61 =	vor.u32 $0x4, v31;
	[tilespmem:v6+s18+$0xCB80] =	vst.idx.msk $0xffff, v62;
	v62 =	vld.idx.msk [tilespmem:v31+s3+$0x0], $0xffff  }
0x1cf: {  	[tilespmem:v6+s18+$0xCA80] =	vst.idx.msk $0xffff, v38;
	v63 =	vor.u32 $0x5, v31;
	v32 =	vld.idx.msk [tilespmem:v32+s3+$0x0], $0xffff  }
0x1d0: {  	[tilespmem:v7+s18+$0xCA80] =	vst.idx.msk $0xffff, v39;
	v48 =	vor.u32 $0x6, v31;
	v39 =	vld.idx.msk [tilespmem:v56+s3+$0x0], $0xffff  }
0x1d1: {  	v31 =	vor.u32 $0x7, v31;
	[tilespmem:v0+s18+$0xCF80] =	vst.idx.msk $0xffff, v49;
	v49 =	vld.idx.msk [tilespmem:v58+s3+$0x0], $0xffff  }
0x1d2: {  	v30 =	vshll.u32 v30, $0x3;
	[tilespmem:v7+s18+$0xCB80] =	vst.idx.msk $0xffff, v33;
	v50 =	vld.idx.msk [tilespmem:v60+s3+$0x0], $0xffff  }
0x1d3: {  	[tilespmem:v1+s18+$0xCF80] =	vst.idx.msk $0xffff, v51;
	v51 =	vor.u32 $0x1, v30;
	v33 =	vld.idx.msk [tilespmem:v61+s3+$0x0], $0xffff  }
0x1d4: {  	v58 =	vor.u32 $0x5, v30;
	[tilespmem:v2+s18+$0xCF80] =	vst.idx.msk $0xffff, v53;
	v52 =	vld.idx.msk [tilespmem:v63+s3+$0x0], $0xffff  }
0x1d5: {  	v29 =	vshll.u32 v29, $0x3;
	[tilespmem:v3+s18+$0xCF80] =	vst.idx.msk $0xffff, v54;
	v54 =	vld.idx.msk [tilespmem:v48+s3+$0x0], $0xffff  }
0x1d6: {  	v53 =	vor.u32 $0x2, v30;
	v31 =	vld.idx.msk [tilespmem:v31+s3+$0x0], $0xffff;
	[tilespmem:v4+s18+$0xCF80] =	vst.idx.msk $0xffff, v55  }
0x1d7: {  	v56 =	vor.u32 $0x4, v30;
	[tilespmem:v5+s18+$0xCF80] =	vst.idx.msk $0xffff, v57;
	v57 =	vld.idx.msk [tilespmem:v30+s3+$0x0], $0xffff  }
0x1d8: {  	v47 =	vor.u32 $0x3, v29;
	[tilespmem:v0+s18+$0xCC00] =	vst.idx.msk $0xffff, v62;
	v36 =	vld.idx.msk [tilespmem:v51+s3+$0x0], $0xffff  }
0x1d9: {  	v62 =	vor.u32 $0x1, v29;
	[tilespmem:v1+s18+$0xCC00] =	vst.idx.msk $0xffff, v39;
	v63 =	vld.idx.msk [tilespmem:v58+s3+$0x0], $0xffff  }
0x1da: {  	v55 =	vor.u32 $0x3, v30;
	[tilespmem:v2+s18+$0xCC00] =	vst.idx.msk $0xffff, v49;
	v49 =	vld.idx.msk [tilespmem:v29+s3+$0x0], $0xffff  }
0x1db: {  	v45 =	vor.u32 $0x2, v29;
	[tilespmem:v6+s18+$0xCF80] =	vst.idx.msk $0xffff, v59;
	v60 =	vld.idx.msk [tilespmem:v53+s3+$0x0], $0xffff  }
0x1dc: {  	v59 =	vor.u32 $0x6, v30;
	[tilespmem:v7+s18+$0xCF80] =	vst.idx.msk $0xffff, v32;
	v32 =	vld.idx.msk [tilespmem:v56+s3+$0x0], $0xffff  }
0x1dd: {  	v30 =	vor.u32 $0x7, v30;
	[tilespmem:v3+s18+$0xCC00] =	vst.idx.msk $0xffff, v50;
	v53 =	vld.idx.msk [tilespmem:v47+s3+$0x0], $0xffff  }
0x1de: {  	v48 =	vor.u32 $0x4, v29;
	[tilespmem:v4+s18+$0xCC00] =	vst.idx.msk $0xffff, v33;
	v33 =	vld.idx.msk [tilespmem:v62+s3+$0x0], $0xffff  }
0x1df: {  	v50 =	vor.u32 $0x5, v29;
	v61 =	vld.idx.msk [tilespmem:v55+s3+$0x0], $0xffff  }
0x1e0: {  	v51 =	vor.u32 $0x6, v29;
	[tilespmem:v5+s18+$0xCC00] =	vst.idx.msk $0xffff, v52;
	v52 =	vld.idx.msk [tilespmem:v45+s3+$0x0], $0xffff  }
0x1e1: {  	v29 =	vor.u32 $0x7, v29;
	v46 =	vld.idx.msk [tilespmem:v59+s3+$0x0], $0xffff  }
0x1e2: {  	[tilespmem:v6+s18+$0xCC00] =	vst.idx.msk $0xffff, v54;
	v30 =	vld.idx.msk [tilespmem:v30+s3+$0x0], $0xffff  }
0x1e3: {  	v28 =	vshll.u32 v28, $0x3;
	[tilespmem:v7+s18+$0xCC00] =	vst.idx.msk $0xffff, v31;
	v31 =	vld.idx.msk [tilespmem:v48+s3+$0x0], $0xffff  }
0x1e4: {  	s24 =	sor.u32 $0x1F, s23;
	v56 =	vor.u32 $0x2, v28;
	[tilespmem:v0+s18+$0xD000] =	vst.idx.msk $0xffff, v57;
	v55 =	vld.idx.msk [tilespmem:v50+s3+$0x0], $0xffff  }
0x1e5: {  	v27 =	vshll.u32 v27, $0x3;
	s31 =	sshll.u32 s24, $0x4;
	[tilespmem:v1+s18+$0xD000] =	vst.idx.msk $0xffff, v36;
	v36 =	vld.idx.msk [tilespmem:v51+s3+$0x0], $0xffff  }
0x1e6: {  	s17 =	sand.u32 $0x3FFFFFF0, s31;
	v54 =	vor.u32 $0x1, v28;
	v29 =	vld.idx.msk [tilespmem:v29+s3+$0x0], $0xffff;
	[tilespmem:v0+s18+$0xCC80] =	vst.idx.msk $0xffff, v49  }
0x1e7: {  	v25 =	vshll.u32 v25, $0x3;
	v8 =	vld [tilespmem:s17+$0x1580];
	v47 =	vor.u32 $0x3, v27;
	[tilespmem:v2+s18+$0xD000] =	vst.idx.msk $0xffff, v60  }
0x1e8: {  	v41 =	vor.u32 $0x2, v25;
	v59 =	vld.idx.msk [tilespmem:v28+s3+$0x0], $0xffff;
	[tilespmem:v1+s18+$0xCC80] =	vst.idx.msk $0xffff, v33  }
0x1e9: {  	v57 =	vor.u32 $0x3, v28;
	v62 =	vld.idx.msk [tilespmem:v56+s3+$0x0], $0xffff;
	[tilespmem:v3+s18+$0xD000] =	vst.idx.msk $0xffff, v61  }
0x1ea: {  	v44 =	vor.u32 $0x1, v27;
	v49 =	vld.idx.msk [tilespmem:v27+s3+$0x0], $0xffff;
	[tilespmem:v2+s18+$0xCC80] =	vst.idx.msk $0xffff, v52  }
0x1eb: {  	[tilespmem:v4+s18+$0xD000] =	vst.idx.msk $0xffff, v32;
	v32 =	vld.idx.msk [tilespmem:v54+s3+$0x0], $0xffff  }
0x1ec: {  	v50 =	vor.u32 $0x5, v27;
	[tilespmem:v3+s18+$0xCC80] =	vst.idx.msk $0xffff, v53;
	v53 =	vld.idx.msk [tilespmem:v47+s3+$0x0], $0xffff  }
0x1ed: {  	v58 =	vor.u32 $0x4, v28;
	v47 =	vld.idx.msk [tilespmem:v41+s3+$0x0], $0xffff  }
0x1ee: {  	v60 =	vor.u32 $0x5, v28;
	[tilespmem:v5+s18+$0xD000] =	vst.idx.msk $0xffff, v63;
	v63 =	vld.idx.msk [tilespmem:v57+s3+$0x0], $0xffff  }
0x1ef: {  	v61 =	vor.u32 $0x6, v28;
	[tilespmem:v4+s18+$0xCC80] =	vst.idx.msk $0xffff, v31;
	v31 =	vld.idx.msk [tilespmem:v44+s3+$0x0], $0xffff  }
0x1f0: {  	v28 =	vor.u32 $0x7, v28;
	v44 =	vld.idx.msk [tilespmem:v25+s3+$0x0], $0xffff;
	[tilespmem:v6+s18+$0xD000] =	vst.idx.msk $0xffff, v46  }
0x1f1: {  	v48 =	vor.u32 $0x4, v27;
	[tilespmem:v5+s18+$0xCC80] =	vst.idx.msk $0xffff, v55;
	v55 =	vld.idx.msk [tilespmem:v50+s3+$0x0], $0xffff  }
0x1f2: {  	v26 =	vshll.u32 v26, $0x3;
	[tilespmem:v7+s18+$0xD000] =	vst.idx.msk $0xffff, v30;
	v30 =	vld.idx.msk [tilespmem:v58+s3+$0x0], $0xffff  }
0x1f3: {  	v51 =	vor.u32 $0x6, v27;
	v45 =	vld.idx.msk [tilespmem:v60+s3+$0x0], $0xffff  }
0x1f4: {  	v56 =	vor.u32 $0x2, v26;
	v33 =	vld.idx.msk [tilespmem:v61+s3+$0x0], $0xffff  }
0x1f5: {  	v46 =	vor.u32 $0x2, v27;
	[tilespmem:v6+s18+$0xCC80] =	vst.idx.msk $0xffff, v36;
	v28 =	vld.idx.msk [tilespmem:v28+s3+$0x0], $0xffff  }
0x1f6: {  	v27 =	vor.u32 $0x7, v27;
	[tilespmem:v7+s18+$0xCC80] =	vst.idx.msk $0xffff, v29;
	v29 =	vld.idx.msk [tilespmem:v48+s3+$0x0], $0xffff  }
0x1f7: {  	v54 =	vor.u32 $0x1, v26;
	[tilespmem:v0+s18+$0xD080] =	vst.idx.msk $0xffff, v59;
	v59 =	vld.idx.msk [tilespmem:v26+s3+$0x0], $0xffff  }
0x1f8: {  	v60 =	vor.u32 $0x5, v26;
	[tilespmem:v1+s18+$0xD080] =	vst.idx.msk $0xffff, v32;
	v32 =	vld.idx.msk [tilespmem:v51+s3+$0x0], $0xffff  }
0x1f9: {  	v61 =	vor.u32 $0x6, v26;
	[tilespmem:v2+s18+$0xD080] =	vst.idx.msk $0xffff, v62;
	v62 =	vld.idx.msk [tilespmem:v56+s3+$0x0], $0xffff  }
0x1fa: {  	v57 =	vor.u32 $0x3, v26;
	v58 =	vor.u32 $0x4, v26;
	v26 =	vor.u32 $0x7, v26;
	v52 =	vld.idx.msk [tilespmem:v46+s3+$0x0], $0xffff;
	[tilespmem:v3+s18+$0xD080] =	vst.idx.msk $0xffff, v63  }
0x1fb: {  	v27 =	vld.idx.msk [tilespmem:v27+s3+$0x0], $0xffff;
	[tilespmem:v0+s18+$0xCD00] =	vst.idx.msk $0xffff, v49  }
0x1fc: {  	v24 =	vshll.u32 v24, $0x3;
	[tilespmem:v4+s18+$0xD080] =	vst.idx.msk $0xffff, v30;
	v30 =	vld.idx.msk [tilespmem:v54+s3+$0x0], $0xffff  }
0x1fd: {  	v50 =	vor.u32 $0x2, v24;
	[tilespmem:v1+s18+$0xCD00] =	vst.idx.msk $0xffff, v31;
	v40 =	vld.idx.msk [tilespmem:v60+s3+$0x0], $0xffff  }
0x1fe: {  	v46 =	vor.u32 $0x6, v25;
	[tilespmem:v5+s18+$0xD080] =	vst.idx.msk $0xffff, v45;
	v31 =	vld.idx.msk [tilespmem:v61+s3+$0x0], $0xffff  }
0x1ff: {  	v26 =	vld.idx.msk [tilespmem:v26+s3+$0x0], $0xffff;
	[tilespmem:v6+s18+$0xD080] =	vst.idx.msk $0xffff, v33  }
0x200: {  	v54 =	vor.u32 $0x5, v24;
	v33 =	vld.idx.msk [tilespmem:v57+s3+$0x0], $0xffff;
	[tilespmem:v7+s18+$0xD080] =	vst.idx.msk $0xffff, v28  }
0x201: {  	v63 =	vor.u32 $0x1, v25;
	v28 =	vld.idx.msk [tilespmem:v58+s3+$0x0], $0xffff;
	[tilespmem:v0+s18+$0xD100] =	vst.idx.msk $0xffff, v59  }
0x202: {  	v56 =	vld.idx.msk [tilespmem:v50+s3+$0x0], $0xffff;
	v45 =	vor.u32 $0x5, v25;
	[tilespmem:v2+s18+$0xCD00] =	vst.idx.msk $0xffff, v52  }
0x203: {  	v43 =	vor.u32 $0x4, v25;
	v42 =	vor.u32 $0x3, v25;
	v25 =	vor.u32 $0x7, v25;
	[tilespmem:v1+s18+$0xD100] =	vst.idx.msk $0xffff, v30;
	v30 =	vld.idx.msk [tilespmem:v46+s3+$0x0], $0xffff  }
0x204: {  	v23 =	vshll.u32 v23, $0x3;
	[tilespmem:v3+s18+$0xCD00] =	vst.idx.msk $0xffff, v53;
	v53 =	vld.idx.msk [tilespmem:v24+s3+$0x0], $0xffff  }
0x205: {  	v58 =	vld.idx.msk [tilespmem:v54+s3+$0x0], $0xffff;
	[tilespmem:v4+s18+$0xCD00] =	vst.idx.msk $0xffff, v29  }
0x206: {  	v48 =	vor.u32 $0x1, v24;
	v29 =	vld.idx.msk [tilespmem:v63+s3+$0x0], $0xffff;
	[tilespmem:v2+s18+$0xD100] =	vst.idx.msk $0xffff, v62  }
0x207: {  	v59 =	vor.u32 $0x2, v23;
	v49 =	vld.idx.msk [tilespmem:v45+s3+$0x0], $0xffff;
	[tilespmem:v5+s18+$0xCD00] =	vst.idx.msk $0xffff, v55  }
0x208: {  	v25 =	vld.idx.msk [tilespmem:v25+s3+$0x0], $0xffff;
	[tilespmem:v3+s18+$0xD100] =	vst.idx.msk $0xffff, v33  }
0x209: {  	v22 =	vshll.u32 v22, $0x3;
	v62 =	vld.idx.msk [tilespmem:v23+s3+$0x0], $0xffff;
	[tilespmem:v6+s18+$0xCD00] =	vst.idx.msk $0xffff, v32  }
0x20a: {  	v51 =	vor.u32 $0x3, v24;
	v32 =	vld.idx.msk [tilespmem:v42+s3+$0x0], $0xffff;
	[tilespmem:v4+s18+$0xD100] =	vst.idx.msk $0xffff, v28  }
0x20b: {  	v52 =	vor.u32 $0x4, v24;
	v28 =	vld.idx.msk [tilespmem:v48+s3+$0x0], $0xffff;
	[tilespmem:v7+s18+$0xCD00] =	vst.idx.msk $0xffff, v27  }
0x20c: {  	v55 =	vor.u32 $0x6, v24;
	v33 =	vld.idx.msk [tilespmem:v59+s3+$0x0], $0xffff;
	[tilespmem:v5+s18+$0xD100] =	vst.idx.msk $0xffff, v40  }
0x20d: {  	v24 =	vor.u32 $0x7, v24;
	v27 =	vld.idx.msk [tilespmem:v43+s3+$0x0], $0xffff;
	[tilespmem:v0+s18+$0xCD80] =	vst.idx.msk $0xffff, v44  }
0x20e: {  	v38 =	vor.u32 $0x6, v23;
	v60 =	vor.u32 $0x3, v23;
	v63 =	vor.u32 $0x5, v23;
	v44 =	vld.idx.msk [tilespmem:v22+s3+$0x0], $0xffff;
	[tilespmem:v6+s18+$0xD100] =	vst.idx.msk $0xffff, v31  }
0x20f: {  	v61 =	vor.u32 $0x4, v23;
	v57 =	vor.u32 $0x1, v23;
	v23 =	vor.u32 $0x7, v23;
	v31 =	vld.idx.msk [tilespmem:v51+s3+$0x0], $0xffff;
	[tilespmem:v7+s18+$0xD100] =	vst.idx.msk $0xffff, v26  }
0x210: {  	v45 =	vor.u32 $0x5, v22;
	[tilespmem:v1+s18+$0xCD80] =	vst.idx.msk $0xffff, v29;
	v26 =	vld.idx.msk [tilespmem:v52+s3+$0x0], $0xffff  }
0x211: {  	v21 =	vshll.u32 v21, $0x3;
	[tilespmem:v2+s18+$0xCD80] =	vst.idx.msk $0xffff, v47;
	v29 =	vld.idx.msk [tilespmem:v55+s3+$0x0], $0xffff  }
0x212: {  	v24 =	vld.idx.msk [tilespmem:v24+s3+$0x0], $0xffff;
	[tilespmem:v0+s18+$0xD180] =	vst.idx.msk $0xffff, v53  }
0x213: {  	v41 =	vor.u32 $0x2, v22;
	v40 =	vld.idx.msk [tilespmem:v63+s3+$0x0], $0xffff;
	[tilespmem:v3+s18+$0xCD80] =	vst.idx.msk $0xffff, v32  }
0x214: {  	v39 =	vor.u32 $0x1, v22;
	v46 =	vor.u32 $0x6, v22;
	v23 =	vld.idx.msk [tilespmem:v23+s3+$0x0], $0xffff;
	[tilespmem:v1+s18+$0xD180] =	vst.idx.msk $0xffff, v28  }
0x215: {  	v42 =	vor.u32 $0x3, v22;
	v43 =	vor.u32 $0x4, v22;
	v22 =	vor.u32 $0x7, v22;
	v48 =	vld.idx.msk [tilespmem:v45+s3+$0x0], $0xffff;
	[tilespmem:v4+s18+$0xCD80] =	vst.idx.msk $0xffff, v27  }
0x216: {  	v52 =	vld.idx.msk [tilespmem:v21+s3+$0x0], $0xffff;
	[tilespmem:v2+s18+$0xD180] =	vst.idx.msk $0xffff, v56  }
0x217: {  	v28 =	vld.idx.msk [tilespmem:v38+s3+$0x0], $0xffff;
	[tilespmem:v5+s18+$0xCD80] =	vst.idx.msk $0xffff, v49  }
0x218: {  	v32 =	vld.idx.msk [tilespmem:v41+s3+$0x0], $0xffff;
	[tilespmem:v3+s18+$0xD180] =	vst.idx.msk $0xffff, v31  }
0x219: {  	v20 =	vshll.u32 v20, $0x3;
	v27 =	vld.idx.msk [tilespmem:v57+s3+$0x0], $0xffff;
	[tilespmem:v6+s18+$0xCD80] =	vst.idx.msk $0xffff, v30  }
0x21a: {  	v22 =	vld.idx.msk [tilespmem:v22+s3+$0x0], $0xffff;
	[tilespmem:v4+s18+$0xD180] =	vst.idx.msk $0xffff, v26  }
0x21b: {  	s14 =	sshll.u32 s14, $0x7;
	v30 =	vld.idx.msk [tilespmem:v60+s3+$0x0], $0xffff;
	[tilespmem:v7+s18+$0xCD80] =	vst.idx.msk $0xffff, v25  }
0x21c: {  	s14 =	sand.u32 $0x3FFFFF80, s14;
	v26 =	vld.idx.msk [tilespmem:v39+s3+$0x0], $0xffff;
	[tilespmem:v5+s18+$0xD180] =	vst.idx.msk $0xffff, v58  }
0x21d: {  	v19 =	vshll.u32 v19, $0x3;
	v53 =	vor.u32 $0x5, v21;
	v25 =	vld.idx.msk [tilespmem:v61+s3+$0x0], $0xffff;
	[tilespmem:v0+s14+$0xCA00] =	vst.idx.msk $0xffff, v62  }
0x21e: {  	v41 =	vor.u32 $0x5, v19;
	v60 =	vld.idx.msk [tilespmem:v20+s3+$0x0], $0xffff;
	[tilespmem:v6+s18+$0xD180] =	vst.idx.msk $0xffff, v29  }
0x21f: {  	s2 =	sshll.u32 s2, $0x7;
	v50 =	vor.u32 $0x3, v21;
	v54 =	vor.u32 $0x6, v21;
	v49 =	vor.u32 $0x2, v21;
	v29 =	vld.idx.msk [tilespmem:v42+s3+$0x0], $0xffff;
	[tilespmem:v7+s18+$0xD180] =	vst.idx.msk $0xffff, v24  }
0x220: {  	s2 =	sand.u32 $0xF800, s2;
	v51 =	vor.u32 $0x4, v21;
	v47 =	vor.u32 $0x1, v21;
	v21 =	vor.u32 $0x7, v21;
	[tilespmem:v1+s14+$0xCA00] =	vst.idx.msk $0xffff, v27;
	v24 =	vld.idx.msk [tilespmem:v43+s3+$0x0], $0xffff  }
0x221: {  	v27 =	vld.idx.msk [tilespmem:v46+s3+$0x0], $0xffff;
	[tilespmem:v0+s2+$0xCE00] =	vst.idx.msk $0xffff, v44  }
0x222: {  	v57 =	vor.u32 $0x2, v20;
	v56 =	vld.idx.msk [tilespmem:v53+s3+$0x0], $0xffff;
	[tilespmem:v2+s14+$0xCA00] =	vst.idx.msk $0xffff, v33  }
0x223: {  	v44 =	vld.idx.msk [tilespmem:v41+s3+$0x0], $0xffff;
	[tilespmem:v3+s14+$0xCA00] =	vst.idx.msk $0xffff, v30  }
0x224: {  	v59 =	vor.u32 $0x4, v20;
	v55 =	vor.u32 $0x1, v20;
	v61 =	vor.u32 $0x5, v20;
	v31 =	vld.idx.msk [tilespmem:v49+s3+$0x0], $0xffff;
	[tilespmem:v1+s2+$0xCE00] =	vst.idx.msk $0xffff, v26  }
0x225: {  	v58 =	vor.u32 $0x3, v20;
	v62 =	vor.u32 $0x6, v20;
	v20 =	vor.u32 $0x7, v20;
	v21 =	vld.idx.msk [tilespmem:v21+s3+$0x0], $0xffff;
	[tilespmem:v4+s14+$0xCA00] =	vst.idx.msk $0xffff, v25  }
0x226: {  	v16 =	vshll.u32 v16, $0x3;
	v26 =	vld.idx.msk [tilespmem:v54+s3+$0x0], $0xffff;
	[tilespmem:v2+s2+$0xCE00] =	vst.idx.msk $0xffff, v32  }
0x227: {  	v30 =	vld.idx.msk [tilespmem:v57+s3+$0x0], $0xffff;
	[tilespmem:v5+s14+$0xCA00] =	vst.idx.msk $0xffff, v40  }
0x228: {  	v25 =	vld.idx.msk [tilespmem:v47+s3+$0x0], $0xffff;
	[tilespmem:v3+s2+$0xCE00] =	vst.idx.msk $0xffff, v29  }
0x229: {  	v36 =	vld.idx.msk [tilespmem:v61+s3+$0x0], $0xffff;
	[tilespmem:v6+s14+$0xCA00] =	vst.idx.msk $0xffff, v28  }
0x22a: {  	v20 =	vld.idx.msk [tilespmem:v20+s3+$0x0], $0xffff;
	[tilespmem:v4+s2+$0xCE00] =	vst.idx.msk $0xffff, v24  }
0x22b: {  	v32 =	vld.idx.msk [tilespmem:v16+s3+$0x0], $0xffff;
	[tilespmem:v7+s14+$0xCA00] =	vst.idx.msk $0xffff, v23  }
0x22c: {  	s31 =	sshll.u32 s20, $0x7;
	v28 =	vld.idx.msk [tilespmem:v50+s3+$0x0], $0xffff;
	[tilespmem:v5+s2+$0xCE00] =	vst.idx.msk $0xffff, v48  }
0x22d: {  	v24 =	vld.idx.msk [tilespmem:v55+s3+$0x0], $0xffff;
	s14 =	sand.u32 $0xF800, s31;
	[tilespmem:v6+s2+$0xCE00] =	vst.idx.msk $0xffff, v27  }
0x22e: {  	v37 =	vor.u32 $0x2, v19;
	v23 =	vld.idx.msk [tilespmem:v51+s3+$0x0], $0xffff;
	[tilespmem:v0+s14+$0xCA80] =	vst.idx.msk $0xffff, v52  }
0x22f: {  	s11 =	sshll.u32 s11, $0x7;
	v18 =	vshll.u32 v18, $0x3;
	v27 =	vld.idx.msk [tilespmem:v58+s3+$0x0], $0xffff;
	[tilespmem:v7+s2+$0xCE00] =	vst.idx.msk $0xffff, v22  }
0x230: {  	s15 =	sand.u32 $0xF800, s11;
	v17 =	vshll.u32 v17, $0x3;
	v49 =	vor.u32 $0x5, v18;
	[tilespmem:v1+s14+$0xCA80] =	vst.idx.msk $0xffff, v25;
	v22 =	vld.idx.msk [tilespmem:v59+s3+$0x0], $0xffff  }
0x231: {  	v63 =	vor.u32 $0x1, v19;
	v38 =	vor.u32 $0x3, v19;
	v57 =	vor.u32 $0x5, v17;
	v25 =	vld.idx.msk [tilespmem:v62+s3+$0x0], $0xffff;
	[tilespmem:v0+s15+$0xCE80] =	vst.idx.msk $0xffff, v60  }
0x232: {  	v39 =	vor.u32 $0x4, v19;
	v42 =	vor.u32 $0x6, v19;
	v40 =	vld.idx.msk [tilespmem:v19+s3+$0x0], $0xffff;
	v19 =	vor.u32 $0x7, v19;
	[tilespmem:v2+s14+$0xCA80] =	vst.idx.msk $0xffff, v31  }
0x233: {  	v29 =	vld.idx.msk [tilespmem:v37+s3+$0x0], $0xffff;
	[tilespmem:v3+s14+$0xCA80] =	vst.idx.msk $0xffff, v28  }
0x234: {  	v45 =	vor.u32 $0x2, v18;
	v48 =	vld.idx.msk [tilespmem:v18+s3+$0x0], $0xffff;
	[tilespmem:v1+s15+$0xCE80] =	vst.idx.msk $0xffff, v24  }
0x235: {  	v43 =	vor.u32 $0x1, v18;
	v46 =	vor.u32 $0x3, v18;
	v52 =	vld.idx.msk [tilespmem:v49+s3+$0x0], $0xffff;
	[tilespmem:v4+s14+$0xCA80] =	vst.idx.msk $0xffff, v23  }
0x236: {  	v47 =	vor.u32 $0x4, v18;
	v50 =	vor.u32 $0x6, v18;
	v18 =	vor.u32 $0x7, v18;
	v60 =	vld.idx.msk [tilespmem:v57+s3+$0x0], $0xffff;
	[tilespmem:v2+s15+$0xCE80] =	vst.idx.msk $0xffff, v30  }
0x237: {  	v19 =	vld.idx.msk [tilespmem:v19+s3+$0x0], $0xffff;
	[tilespmem:v5+s14+$0xCA80] =	vst.idx.msk $0xffff, v56  }
0x238: {  	v24 =	vld.idx.msk [tilespmem:v42+s3+$0x0], $0xffff;
	[tilespmem:v3+s15+$0xCE80] =	vst.idx.msk $0xffff, v27  }
0x239: {  	v28 =	vld.idx.msk [tilespmem:v45+s3+$0x0], $0xffff;
	[tilespmem:v6+s14+$0xCA80] =	vst.idx.msk $0xffff, v26  }
0x23a: {  	v23 =	vld.idx.msk [tilespmem:v63+s3+$0x0], $0xffff;
	[tilespmem:v4+s15+$0xCE80] =	vst.idx.msk $0xffff, v22  }
0x23b: {  	s10 =	sshll.u32 s10, $0x7;
	v18 =	vld.idx.msk [tilespmem:v18+s3+$0x0], $0xffff;
	[tilespmem:v7+s14+$0xCA80] =	vst.idx.msk $0xffff, v21  }
0x23c: {  	s17 =	sand.u32 $0xF800, s10;
	v26 =	vld.idx.msk [tilespmem:v38+s3+$0x0], $0xffff;
	[tilespmem:v5+s15+$0xCE80] =	vst.idx.msk $0xffff, v36  }
0x23d: {  	v21 =	vld.idx.msk [tilespmem:v39+s3+$0x0], $0xffff;
	[tilespmem:v0+s17+$0xCB00] =	vst.idx.msk $0xffff, v40  }
0x23e: {  	v53 =	vor.u32 $0x2, v17;
	v22 =	vld.idx.msk [tilespmem:v43+s3+$0x0], $0xffff;
	[tilespmem:v6+s15+$0xCE80] =	vst.idx.msk $0xffff, v25  }
0x23f: {  	s6 =	sshll.u32 s6, $0x7;
	v15 =	vshll.u32 v15, $0x3;
	v33 =	vor.u32 $0x5, v16;
	v25 =	vld.idx.msk [tilespmem:v46+s3+$0x0], $0xffff;
	[tilespmem:v7+s15+$0xCE80] =	vst.idx.msk $0xffff, v20  }
0x240: {  	v34 =	vor.u32 $0x6, v16;
	s18 =	sand.u32 $0xF800, s6;
	v61 =	vor.u32 $0x2, v16;
	v59 =	vor.u32 $0x1, v16;
	[tilespmem:v1+s17+$0xCB00] =	vst.idx.msk $0xffff, v23;
	v20 =	vld.idx.msk [tilespmem:v47+s3+$0x0], $0xffff  }
0x241: {  	v62 =	vor.u32 $0x3, v16;
	v63 =	vor.u32 $0x4, v16;
	v16 =	vor.u32 $0x7, v16;
	v23 =	vld.idx.msk [tilespmem:v50+s3+$0x0], $0xffff;
	[tilespmem:v0+s18+$0xCF00] =	vst.idx.msk $0xffff, v48  }
0x242: {  	v14 =	vshll.u32 v14, $0x3;
	v54 =	vor.u32 $0x3, v17;
	v55 =	vor.u32 $0x4, v17;
	v56 =	vld.idx.msk [tilespmem:v17+s3+$0x0], $0xffff;
	[tilespmem:v2+s17+$0xCB00] =	vst.idx.msk $0xffff, v29  }
0x243: {  	v51 =	vor.u32 $0x1, v17;
	v58 =	vor.u32 $0x6, v17;
	v27 =	vld.idx.msk [tilespmem:v53+s3+$0x0], $0xffff;
	v17 =	vor.u32 $0x7, v17;
	[tilespmem:v3+s17+$0xCB00] =	vst.idx.msk $0xffff, v26  }
0x244: {  	v36 =	vld.idx.msk [tilespmem:v33+s3+$0x0], $0xffff;
	[tilespmem:v1+s18+$0xCF00] =	vst.idx.msk $0xffff, v22  }
0x245: {  	v40 =	vld.idx.msk [tilespmem:v15+s3+$0x0], $0xffff;
	[tilespmem:v4+s17+$0xCB00] =	vst.idx.msk $0xffff, v21  }
0x246: {  	v16 =	vld.idx.msk [tilespmem:v16+s3+$0x0], $0xffff;
	[tilespmem:v2+s18+$0xCF00] =	vst.idx.msk $0xffff, v28  }
0x247: {  	v48 =	vld.idx.msk [tilespmem:v14+s3+$0x0], $0xffff;
	[tilespmem:v5+s17+$0xCB00] =	vst.idx.msk $0xffff, v44  }
0x248: {  	v17 =	vld.idx.msk [tilespmem:v17+s3+$0x0], $0xffff;
	[tilespmem:v3+s18+$0xCF00] =	vst.idx.msk $0xffff, v25  }
0x249: {  	v22 =	vld.idx.msk [tilespmem:v58+s3+$0x0], $0xffff;
	[tilespmem:v6+s17+$0xCB00] =	vst.idx.msk $0xffff, v24  }
0x24a: {  	v26 =	vld.idx.msk [tilespmem:v61+s3+$0x0], $0xffff;
	[tilespmem:v4+s18+$0xCF00] =	vst.idx.msk $0xffff, v20  }
0x24b: {  	s5 =	sshll.u32 s5, $0x7;
	v21 =	vld.idx.msk [tilespmem:v51+s3+$0x0], $0xffff;
	[tilespmem:v7+s17+$0xCB00] =	vst.idx.msk $0xffff, v19  }
0x24c: {  	s20 =	sand.u32 $0xF800, s5;
	v35 =	vor.u32 $0x1, v15;
	v24 =	vld.idx.msk [tilespmem:v54+s3+$0x0], $0xffff;
	[tilespmem:v5+s18+$0xCF00] =	vst.idx.msk $0xffff, v52  }
0x24d: {  	v41 =	vor.u32 $0x5, v15;
	v37 =	vor.u32 $0x2, v15;
	v42 =	vor.u32 $0x6, v15;
	v19 =	vld.idx.msk [tilespmem:v55+s3+$0x0], $0xffff;
	[tilespmem:v0+s20+$0xCB80] =	vst.idx.msk $0xffff, v56  }
0x24e: {  	v38 =	vor.u32 $0x3, v15;
	v39 =	vor.u32 $0x4, v15;
	v15 =	vor.u32 $0x7, v15;
	v20 =	vld.idx.msk [tilespmem:v59+s3+$0x0], $0xffff;
	[tilespmem:v6+s18+$0xCF00] =	vst.idx.msk $0xffff, v23  }
0x24f: {  	s31 =	sshll.u32 s12, $0x7;
	v49 =	vor.u32 $0x5, v14;
	v23 =	vld.idx.msk [tilespmem:v62+s3+$0x0], $0xffff;
	[tilespmem:v7+s18+$0xCF00] =	vst.idx.msk $0xffff, v18  }
0x250: {  	s5 =	sand.u32 $0xF800, s31;
	v45 =	vor.u32 $0x2, v14;
	v43 =	vor.u32 $0x1, v14;
	v46 =	vor.u32 $0x3, v14;
	[tilespmem:v1+s20+$0xCB80] =	vst.idx.msk $0xffff, v21;
	v18 =	vld.idx.msk [tilespmem:v63+s3+$0x0], $0xffff  }
0x251: {  	v47 =	vor.u32 $0x4, v14;
	v50 =	vor.u32 $0x6, v14;
	v14 =	vor.u32 $0x7, v14;
	v21 =	vld.idx.msk [tilespmem:v34+s3+$0x0], $0xffff;
	[tilespmem:v0+s5+$0xCF80] =	vst.idx.msk $0xffff, v32  }
0x252: {  	[tilespmem:v2+s20+$0xCB80] =	vst.idx.msk $0xffff, v27  }
0x253: {  	v13 =	vshll.u32 v13, $0x3;
	v15 =	vld.idx.msk [tilespmem:v15+s3+$0x0], $0xffff;
	[tilespmem:v3+s20+$0xCB80] =	vst.idx.msk $0xffff, v24  }
0x254: {  	v25 =	vld.idx.msk [tilespmem:v37+s3+$0x0], $0xffff;
	[tilespmem:v1+s5+$0xCF80] =	vst.idx.msk $0xffff, v20  }
0x255: {  	v44 =	vld.idx.msk [tilespmem:v41+s3+$0x0], $0xffff;
	[tilespmem:v4+s20+$0xCB80] =	vst.idx.msk $0xffff, v19  }
0x256: {  	v14 =	vld.idx.msk [tilespmem:v14+s3+$0x0], $0xffff;
	[tilespmem:v2+s5+$0xCF80] =	vst.idx.msk $0xffff, v26  }
0x257: {  	v52 =	vld.idx.msk [tilespmem:v49+s3+$0x0], $0xffff;
	[tilespmem:v5+s20+$0xCB80] =	vst.idx.msk $0xffff, v60  }
0x258: {  	v56 =	vld.idx.msk [tilespmem:v13+s3+$0x0], $0xffff;
	[tilespmem:v3+s5+$0xCF80] =	vst.idx.msk $0xffff, v23  }
0x259: {  	v20 =	vld.idx.msk [tilespmem:v42+s3+$0x0], $0xffff;
	[tilespmem:v6+s20+$0xCB80] =	vst.idx.msk $0xffff, v22  }
0x25a: {  	v24 =	vld.idx.msk [tilespmem:v45+s3+$0x0], $0xffff;
	[tilespmem:v4+s5+$0xCF80] =	vst.idx.msk $0xffff, v18  }
0x25b: {  	s0 =	sshll.u32 s0, $0x7;
	v19 =	vld.idx.msk [tilespmem:v35+s3+$0x0], $0xffff;
	[tilespmem:v7+s20+$0xCB80] =	vst.idx.msk $0xffff, v17  }
0x25c: {  	s0 =	sand.u32 $0xF800, s0;
	v22 =	vld.idx.msk [tilespmem:v38+s3+$0x0], $0xffff;
	[tilespmem:v5+s5+$0xCF80] =	vst.idx.msk $0xffff, v36  }
0x25d: {  	v12 =	vshll.u32 v12, $0x3;
	v57 =	vor.u32 $0x5, v13;
	v53 =	vor.u32 $0x2, v13;
	v17 =	vld.idx.msk [tilespmem:v39+s3+$0x0], $0xffff;
	[tilespmem:v0+s0+$0xCC00] =	vst.idx.msk $0xffff, v40  }
0x25e: {  	v29 =	vor.u32 $0x5, v12;
	v58 =	vor.u32 $0x6, v13;
	v51 =	vor.u32 $0x1, v13;
	v18 =	vld.idx.msk [tilespmem:v43+s3+$0x0], $0xffff;
	[tilespmem:v6+s5+$0xCF80] =	vst.idx.msk $0xffff, v21  }
0x25f: {  	s1 =	sshll.u32 s1, $0x7;
	v54 =	vor.u32 $0x3, v13;
	v55 =	vor.u32 $0x4, v13;
	v13 =	vor.u32 $0x7, v13;
	v21 =	vld.idx.msk [tilespmem:v46+s3+$0x0], $0xffff;
	[tilespmem:v7+s5+$0xCF80] =	vst.idx.msk $0xffff, v16  }
0x260: {  	s6 =	sand.u32 $0xFC00, s1;
	[tilespmem:v1+s0+$0xCC00] =	vst.idx.msk $0xffff, v19;
	v16 =	vld.idx.msk [tilespmem:v47+s3+$0x0], $0xffff  }
0x261: {  	v30 =	vor.u32 $0x6, v12;
	v61 =	vor.u32 $0x2, v12;
	v59 =	vor.u32 $0x1, v12;
	v19 =	vld.idx.msk [tilespmem:v50+s3+$0x0], $0xffff;
	[tilespmem:v0+s6+$0xCC00] =	vst.idx.msk $0xffff, v48  }
0x262: {  	v28 =	vld.idx.msk [tilespmem:v12+s3+$0x0], $0xffff;
	v62 =	vor.u32 $0x3, v12;
	v63 =	vor.u32 $0x4, v12;
	v12 =	vor.u32 $0x7, v12;
	[tilespmem:v2+s0+$0xCC00] =	vst.idx.msk $0xffff, v25  }
0x263: {  	v11 =	vshll.u32 v11, $0x3;
	v32 =	vld.idx.msk [tilespmem:v29+s3+$0x0], $0xffff;
	[tilespmem:v3+s0+$0xCC00] =	vst.idx.msk $0xffff, v22  }
0x264: {  	v13 =	vld.idx.msk [tilespmem:v13+s3+$0x0], $0xffff;
	[tilespmem:v1+s6+$0xCC00] =	vst.idx.msk $0xffff, v18  }
0x265: {  	v23 =	vld.idx.msk [tilespmem:v53+s3+$0x0], $0xffff;
	[tilespmem:v4+s0+$0xCC00] =	vst.idx.msk $0xffff, v17  }
0x266: {  	v60 =	vld.idx.msk [tilespmem:v57+s3+$0x0], $0xffff;
	[tilespmem:v2+s6+$0xCC00] =	vst.idx.msk $0xffff, v24  }
0x267: {  	v12 =	vld.idx.msk [tilespmem:v12+s3+$0x0], $0xffff;
	[tilespmem:v5+s0+$0xCC00] =	vst.idx.msk $0xffff, v44  }
0x268: {  	v36 =	vld.idx.msk [tilespmem:v11+s3+$0x0], $0xffff;
	[tilespmem:v3+s6+$0xCC00] =	vst.idx.msk $0xffff, v21  }
0x269: {  	v18 =	vld.idx.msk [tilespmem:v58+s3+$0x0], $0xffff;
	[tilespmem:v6+s0+$0xCC00] =	vst.idx.msk $0xffff, v20  }
0x26a: {  	v22 =	vld.idx.msk [tilespmem:v61+s3+$0x0], $0xffff;
	[tilespmem:v4+s6+$0xCC00] =	vst.idx.msk $0xffff, v16  }
0x26b: {  	s10 =	sshll.u32 s30, $0x7;
	v17 =	vld.idx.msk [tilespmem:v51+s3+$0x0], $0xffff;
	[tilespmem:v7+s0+$0xCC00] =	vst.idx.msk $0xffff, v15  }
0x26c: {  	s11 =	sand.u32 $0xF800, s10;
	v20 =	vld.idx.msk [tilespmem:v54+s3+$0x0], $0xffff;
	[tilespmem:v5+s6+$0xCC00] =	vst.idx.msk $0xffff, v52  }
0x26d: {  	v37 =	vor.u32 $0x5, v11;
	v15 =	vld.idx.msk [tilespmem:v55+s3+$0x0], $0xffff;
	[tilespmem:v0+s11+$0xCC80] =	vst.idx.msk $0xffff, v56  }
0x26e: {  	v10 =	vshll.u32 v10, $0x3;
	v31 =	vor.u32 $0x1, v11;
	v16 =	vld.idx.msk [tilespmem:v59+s3+$0x0], $0xffff;
	[tilespmem:v6+s6+$0xCC00] =	vst.idx.msk $0xffff, v19  }
0x26f: {  	s12 =	sshll.u32 s29, $0x7;
	v33 =	vor.u32 $0x2, v11;
	v34 =	vor.u32 $0x3, v11;
	v45 =	vor.u32 $0x5, v10;
	v19 =	vld.idx.msk [tilespmem:v62+s3+$0x0], $0xffff;
	[tilespmem:v7+s6+$0xCC00] =	vst.idx.msk $0xffff, v14  }
0x270: {  	s14 =	sand.u32 $0xFC00, s12;
	v35 =	vor.u32 $0x4, v11;
	v38 =	vor.u32 $0x6, v11;
	v11 =	vor.u32 $0x7, v11;
	[tilespmem:v1+s11+$0xCC80] =	vst.idx.msk $0xffff, v17;
	v14 =	vld.idx.msk [tilespmem:v63+s3+$0x0], $0xffff  }
0x271: {  	v9 =	vshll.u32 v9, $0x3;
	v17 =	vld.idx.msk [tilespmem:v30+s3+$0x0], $0xffff;
	[tilespmem:v0+s14+$0xCC80] =	vst.idx.msk $0xffff, v28  }
0x272: {  	v41 =	vor.u32 $0x2, v10;
	v42 =	vor.u32 $0x3, v10;
	v43 =	vor.u32 $0x4, v10;
	v40 =	vld.idx.msk [tilespmem:v37+s3+$0x0], $0xffff;
	[tilespmem:v2+s11+$0xCC80] =	vst.idx.msk $0xffff, v23  }
0x273: {  	v39 =	vor.u32 $0x1, v10;
	v46 =	vor.u32 $0x6, v10;
	v44 =	vld.idx.msk [tilespmem:v10+s3+$0x0], $0xffff;
	v10 =	vor.u32 $0x7, v10;
	[tilespmem:v3+s11+$0xCC80] =	vst.idx.msk $0xffff, v20  }
0x274: {  	v48 =	vld.idx.msk [tilespmem:v45+s3+$0x0], $0xffff;
	[tilespmem:v1+s14+$0xCC80] =	vst.idx.msk $0xffff, v16  }
0x275: {  	v11 =	vld.idx.msk [tilespmem:v11+s3+$0x0], $0xffff;
	[tilespmem:v4+s11+$0xCC80] =	vst.idx.msk $0xffff, v15  }
0x276: {  	v21 =	vld.idx.msk [tilespmem:v33+s3+$0x0], $0xffff;
	[tilespmem:v2+s14+$0xCC80] =	vst.idx.msk $0xffff, v22  }
0x277: {  	v52 =	vld.idx.msk [tilespmem:v9+s3+$0x0], $0xffff;
	[tilespmem:v5+s11+$0xCC80] =	vst.idx.msk $0xffff, v60  }
0x278: {  	v10 =	vld.idx.msk [tilespmem:v10+s3+$0x0], $0xffff;
	[tilespmem:v3+s14+$0xCC80] =	vst.idx.msk $0xffff, v19  }
0x279: {  	v16 =	vld.idx.msk [tilespmem:v38+s3+$0x0], $0xffff;
	[tilespmem:v6+s11+$0xCC80] =	vst.idx.msk $0xffff, v18  }
0x27a: {  	v20 =	vld.idx.msk [tilespmem:v41+s3+$0x0], $0xffff;
	[tilespmem:v4+s14+$0xCC80] =	vst.idx.msk $0xffff, v14  }
0x27b: {  	s15 =	sshll.u32 s28, $0x7;
	v15 =	vld.idx.msk [tilespmem:v31+s3+$0x0], $0xffff;
	[tilespmem:v7+s11+$0xCC80] =	vst.idx.msk $0xffff, v13  }
0x27c: {  	s17 =	sand.u32 $0xF800, s15;
	v18 =	vld.idx.msk [tilespmem:v34+s3+$0x0], $0xffff;
	[tilespmem:v5+s14+$0xCC80] =	vst.idx.msk $0xffff, v32  }
0x27d: {  	v13 =	vld.idx.msk [tilespmem:v35+s3+$0x0], $0xffff;
	[tilespmem:v0+s17+$0xCD00] =	vst.idx.msk $0xffff, v36  }
0x27e: {  	v8 =	vshll.u32 v8, $0x3;
	v14 =	vld.idx.msk [tilespmem:v39+s3+$0x0], $0xffff;
	[tilespmem:v6+s14+$0xCC80] =	vst.idx.msk $0xffff, v17  }
0x27f: {  	v49 =	vor.u32 $0x2, v9;
	s18 =	sshll.u32 s26, $0x7;
	v53 =	vor.u32 $0x5, v9;
	v17 =	vld.idx.msk [tilespmem:v42+s3+$0x0], $0xffff;
	[tilespmem:v7+s14+$0xCC80] =	vst.idx.msk $0xffff, v12  }
0x280: {  	s20 =	sand.u32 $0xFC00, s18;
	v47 =	vor.u32 $0x1, v9;
	v50 =	vor.u32 $0x3, v9;
	v61 =	vor.u32 $0x5, v8;
	[tilespmem:v1+s17+$0xCD00] =	vst.idx.msk $0xffff, v15;
	v12 =	vld.idx.msk [tilespmem:v43+s3+$0x0], $0xffff  }
0x281: {  	v51 =	vor.u32 $0x4, v9;
	v54 =	vor.u32 $0x6, v9;
	v9 =	vor.u32 $0x7, v9;
	v15 =	vld.idx.msk [tilespmem:v46+s3+$0x0], $0xffff;
	[tilespmem:v0+s20+$0xCD00] =	vst.idx.msk $0xffff, v44  }
0x282: {  	v57 =	vor.u32 $0x2, v8;
	v58 =	vor.u32 $0x3, v8;
	v59 =	vor.u32 $0x4, v8;
	[tilespmem:v2+s17+$0xCD00] =	vst.idx.msk $0xffff, v21  }
0x283: {  	v55 =	vor.u32 $0x1, v8;
	v62 =	vor.u32 $0x6, v8;
	v60 =	vld.idx.msk [tilespmem:v8+s3+$0x0], $0xffff;
	v8 =	vor.u32 $0x7, v8;
	[tilespmem:v3+s17+$0xCD00] =	vst.idx.msk $0xffff, v18  }
0x284: {  	v56 =	vld.idx.msk [tilespmem:v53+s3+$0x0], $0xffff;
	[tilespmem:v1+s20+$0xCD00] =	vst.idx.msk $0xffff, v14  }
0x285: {  	v63 =	vld.idx.msk [tilespmem:v61+s3+$0x0], $0xffff;
	[tilespmem:v4+s17+$0xCD00] =	vst.idx.msk $0xffff, v13  }
0x286: {  	v9 =	vld.idx.msk [tilespmem:v9+s3+$0x0], $0xffff;
	[tilespmem:v2+s20+$0xCD00] =	vst.idx.msk $0xffff, v20  }
0x287: {  	v19 =	vld.idx.msk [tilespmem:v49+s3+$0x0], $0xffff;
	[tilespmem:v5+s17+$0xCD00] =	vst.idx.msk $0xffff, v40  }
0x288: {  	v8 =	vld.idx.msk [tilespmem:v8+s3+$0x0], $0xffff;
	[tilespmem:v3+s20+$0xCD00] =	vst.idx.msk $0xffff, v17  }
0x289: {  	v14 =	vld.idx.msk [tilespmem:v54+s3+$0x0], $0xffff;
	[tilespmem:v6+s17+$0xCD00] =	vst.idx.msk $0xffff, v16  }
0x28a: {  	v18 =	vld.idx.msk [tilespmem:v57+s3+$0x0], $0xffff;
	[tilespmem:v4+s20+$0xCD00] =	vst.idx.msk $0xffff, v12  }
0x28b: {  	s26 =	sshll.u32 s25, $0x7;
	v13 =	vld.idx.msk [tilespmem:v47+s3+$0x0], $0xffff;
	[tilespmem:v7+s17+$0xCD00] =	vst.idx.msk $0xffff, v11  }
0x28c: {  	s28 =	sand.u32 $0xF800, s26;
	v16 =	vld.idx.msk [tilespmem:v50+s3+$0x0], $0xffff;
	[tilespmem:v5+s20+$0xCD00] =	vst.idx.msk $0xffff, v48  }
0x28d: {  	v11 =	vld.idx.msk [tilespmem:v51+s3+$0x0], $0xffff;
	[tilespmem:v0+s28+$0xCD80] =	vst.idx.msk $0xffff, v52  }
0x28e: {  	v12 =	vld.idx.msk [tilespmem:v55+s3+$0x0], $0xffff;
	[tilespmem:v6+s20+$0xCD00] =	vst.idx.msk $0xffff, v15  }
0x28f: {  	s29 =	sshll.u32 s24, $0x7;
	v15 =	vld.idx.msk [tilespmem:v58+s3+$0x0], $0xffff;
	[tilespmem:v7+s20+$0xCD00] =	vst.idx.msk $0xffff, v10  }
0x290: {  	s30 =	sand.u32 $0x3FFFFF80, s29;
	[tilespmem:v1+s28+$0xCD80] =	vst.idx.msk $0xffff, v13;
	v10 =	vld.idx.msk [tilespmem:v59+s3+$0x0], $0xffff  }
0x291: {  	v13 =	vld.idx.msk [tilespmem:v62+s3+$0x0], $0xffff;
	[tilespmem:v0+s30+$0xCA00] =	vst.idx.msk $0xffff, v60  }
0x292: {  	[tilespmem:v2+s28+$0xCD80] =	vst.idx.msk $0xffff, v19  }
0x293: {  	[tilespmem:v3+s28+$0xCD80] =	vst.idx.msk $0xffff, v16  }
0x294: {  	[tilespmem:v1+s30+$0xCA00] =	vst.idx.msk $0xffff, v12  }
0x295: {  	[tilespmem:v4+s28+$0xCD80] =	vst.idx.msk $0xffff, v11  }
0x296: {  	[tilespmem:v2+s30+$0xCA00] =	vst.idx.msk $0xffff, v18  }
0x297: {  	[tilespmem:v5+s28+$0xCD80] =	vst.idx.msk $0xffff, v56  }
0x298: {  	[tilespmem:v3+s30+$0xCA00] =	vst.idx.msk $0xffff, v15  }
0x299: {  	p0 =	slt.u32 s23, $0x120;
	[tilespmem:v6+s28+$0xCD80] =	vst.idx.msk $0xffff, v14  }
.Ltmp1:
0x29a: {  	[tilespmem:v4+s30+$0xCA00] =	vst.idx.msk $0xffff, v10;
	(pc) =	sbr.rel @p0 .LBB2_5-.Ltmp1, $4  }
0x29b: {  	[tilespmem:v7+s28+$0xCD80] =	vst.idx.msk $0xffff, v9  }
0x29c: {  	[tilespmem:v5+s30+$0xCA00] =	vst.idx.msk $0xffff, v63  }
0x29d: {  	s31 =	sadd.s32 $0x20, s23;
	[tilespmem:v6+s30+$0xCA00] =	vst.idx.msk $0xffff, v13  }
0x29e: {  	s23 =	smov.u32 s31;
	[tilespmem:v7+s30+$0xCA00] =	vst.idx.msk $0xffff, v8  }
0x29f: {  	s21 =	sadd.s32 $0x1, s21  }
0x2a0: {  	p0 =	sne.s32 s21, $0x14  }
.Ltmp2:
0x2a1: {  	_ = 	snop;
	(pc) =	sbr.rel @p0 .LBB2_2-.Ltmp2, $4  }
0x2a2: {  	_ = 	snop  }
0x2a3: {  	s0 =	rddreg [dreg:$0x1]  }
0x2a4: {  	s1 =	simm.s32 $0xCA00;
	s0 =	sadd.s32 s0, s22  }
0x2a5: {  	[hbm4b:s0+s3] =	stream.linear.scatter [tilespmem:s1], [sflag:$0x4], $0xA000, $0x38;
	[tilespmem:$0x16A00] =	vst v63  }
0x2a6: {  	s0 =	simm.s32 $0x3  }
0x2a7: {  	_ =	swait.ge [sflag:s0], $0xA000  }
0x2a8: {  	[sflag:s0] =	ssyncset.done $0x0  }
0x2a9: {  	[sflag:s0] =	ssyncadd.s32 $0xFFFF6000  }
0x2aa: {  	_ =	swait.ge [sflag:s19], $0xA000  }
0x2ab: {  	s1 =	rddreg [dreg:$0x6]  }
0x2ac: {  	s31 =	rddreg [dreg:$0x5];
	s1 =	sadd.s32 $0x1, s1  }
0x2ad: {  	p0 =	sne.s32 s1, s31  }
.Ltmp3:
0x2ae: {  	_ = 	snop;
	(pc) =	sbr.rel @p0 .LBB2_1-.Ltmp3, $3  }
0x2af: {  	_ =	sdelay $0x1  }
0x2b0: {  	[sflag:s19] =	ssyncset.done $0x0  }
0x2b1: {  	[sflag:s19] =	ssyncadd.s32 $0xFFFF6000  }
0x2b2: {  	_ =	sfence.sel $0x180000  }
0x2b3: {  	[bflag:$0x0] =	sbarrier.arrive $0xFFFF  }
0x2b4: {  	_ =	strace $0x90000047  }
0x2b5: {  	s0 =	stileid.u32;
	[bflag:$0x2] =	sbarrier.arrive $0xFFFF  }
0x2b6: {  	p0 =	sne.s32 s0, $0x0;
	s0 =	rddreg [dreg:$0x2]  }
0x2b7: {  	s0 =	sadd.s32 @!p0 $0x100000, s0  }
0x2b8: {  	[sflag:s0] =	ssyncadd.tile.s32 @!p0 $0x1;
	_ =	shalt  }
.Lfunc_end2:
_tile_overlayer_lowered:
.L_overlay_start_2:
0x2b9: {  	(tag) =	ssettag $0x2  }
0x2ba: {  	s0 =	rddreg [dreg:$0x0];
	s2 =	stileid.u32  }
0x2bb: {  	s1 =	rddreg [dreg:$0x1];
	p0 =	sne.s32 s2, $0x0  }
0x2bc: {  	s3 =	rddreg [dreg:$0x2];
	[bflag:$0x3] =	sbarrier.arrive $0xFFFF;
	s2 =	simm.s32 @!p0 $0x1C05  }
0x2bd: {  	[timem:s3], [sflag:s2] =	dma.local @!p0 [hbm:s0], s1  }
0x2be: {  	s0 =	simm.s32 @!p0 $0x5  }
0x2bf: {  	_ =	swait.ge @!p0 [sflag:s0], s1  }
0x2c0: {  	s1 =	ssub.s32 @!p0 $0x0, s1;
	[sflag:s0] =	ssyncset.done @!p0 $0x0  }
0x2c1: {  	[sflag:s0] =	ssyncadd.s32 @!p0 s1  }
0x2c2: {  	[bflag:$0x3] =	sbarrier.arrive $0xFFFF  }
0x2c3: {  	_ =	shalt  }

</sc_bundles>
